<compile_context>
chip_gen: v7x
topology: tpu7x:2x2x1
jax: 0.10.2.dev20260603
libtpu: 0.0.44.dev20260713+nightly
codegen_flags: <defaults>
</compile_context>

<pallas_src>
import functools

import jax
import jax.numpy as jnp
import numpy as np
from jax import lax
from jax.experimental import pallas as pl
from jax.experimental.pallas import tpu as pltpu
from jax.experimental.pallas import tpu_sc as plsc

_B, _T, _D, _M = 16, 128, 64, 8192
_N = _B * _T
_DECAY = 0.99
_EPS = 1e-05
_LOG_M = float(np.log(_M))


def _stage_a_body(a_ref, v_ref, e_ref, x2_ref, e2_ref,
                  idx_ref, ph_ref, cnt_ref, dw_ref, bs_ref):
    i = pl.program_id(0)
    mod = i // _B
    b = i % _B

    @pl.when(i == 0)
    def _init():
        cnt_ref[...] = jnp.zeros_like(cnt_ref)
        dw_ref[...] = jnp.zeros_like(dw_ref)

    a = a_ref[b]
    v = v_ref[b]
    x = jnp.where(mod == 0, a, v)
    sumflat = a + v
    e = e_ref[...]

    e2 = e2_ref[0]
    x2 = x2_ref[mod, b]
    xe = lax.dot_general(x, e, (((1,), (1,)), ((), ())),
                         preferred_element_type=jnp.float32)
    d = (e2[None, :] + x2[:, None]) - 2.0 * xe

    miota = lax.broadcasted_iota(jnp.int32, (_T, _M), 1)
    dmin = jnp.min(d, axis=1, keepdims=True)
    idx = jnp.min(jnp.where(d == dmin, miota, _M), axis=1).astype(jnp.int32)

    s = -jnp.sqrt(jnp.maximum(d, 0.0))
    smax = jnp.max(s, axis=1, keepdims=True)
    u = jnp.exp(s - smax)
    z = jnp.sum(u, axis=1, keepdims=True)
    p = u / z
    ent = -jnp.sum(p * jnp.log(p + 1e-5), axis=1)
    adj = 1.0 - ent / _LOG_M
    ph_b = jnp.mean(p, axis=0)
    cons_b = jnp.sum(jnp.abs(p - ph_b[None, :]))

    one = (miota == idx[:, None]).astype(jnp.float32)
    cnt_vec = jnp.sum(one, axis=0)
    viota = lax.broadcasted_iota(jnp.int32, (1, _M), 1).reshape(_M)
    cmax = jnp.max(cnt_vec)
    mode = jnp.min(jnp.where(cnt_vec == cmax, viota, _M)).astype(jnp.float32)
    wcnt = jnp.sum(one * adj[:, None], axis=0)
    y = adj[:, None] * sumflat
    dwc = lax.dot_general(one, y, (((0,), (0,)), ((), ())),
                          preferred_element_type=jnp.float32)

    idx_ref[mod, b] = idx
    ph_ref[mod, b] = ph_b
    cnt_ref[mod] = cnt_ref[mod] + wcnt
    dw_ref[mod] = dw_ref[mod] + dwc
    li = lax.broadcasted_iota(jnp.int32, (1, _T), 1).reshape(_T)
    bs_ref[mod, b] = jnp.where(li == 0, cons_b,
                               jnp.where(li == 1, mode, 0.0))


def _stage_a(audio, video, embedding, x2, e2):
    full = lambda shape: pl.BlockSpec(shape, lambda i: (0,) * len(shape))
    return pl.pallas_call(
        _stage_a_body,
        grid=(2 * _B,),
        in_specs=[full((_B, _T, _D)), full((_B, _T, _D)), full((_M, _D)),
                  full((2, _B, _T)), full((1, _M))],
        out_specs=[full((2, _B, _T)), full((2, _B, _M)), full((2, _M)),
                   full((2, _M, _D)), full((2, _B, _T))],
        out_shape=[
            jax.ShapeDtypeStruct((2, _B, _T), jnp.int32),
            jax.ShapeDtypeStruct((2, _B, _M), jnp.float32),
            jax.ShapeDtypeStruct((2, _M), jnp.float32),
            jax.ShapeDtypeStruct((2, _M, _D), jnp.float32),
            jax.ShapeDtypeStruct((2, _B, _T), jnp.float32),
        ],
        compiler_params=pltpu.CompilerParams(
            dimension_semantics=("arbitrary",)),
    )(audio, video, embedding, x2, e2)


_NW = 32
_ROWS_PER_W = 2 * _N // _NW
_DP = 128


def _sc_gather(table_padded, idx_flat):
    mesh = plsc.VectorSubcoreMesh(core_axis_name="c", subcore_axis_name="s")

    @functools.partial(
        pl.kernel, mesh=mesh,
        out_type=jax.ShapeDtypeStruct((2 * _N, _DP), jnp.float32),
        scratch_types=[
            pltpu.VMEM((_ROWS_PER_W,), jnp.int32),
            pltpu.VMEM((_ROWS_PER_W, _DP), jnp.float32),
            pltpu.SemaphoreType.DMA,
        ],
    )
    def gather_k(table_hbm, idx_hbm, out_hbm, idx_v, rows_v, sem):
        wid = lax.axis_index("s") * 2 + lax.axis_index("c")
        base = wid * _ROWS_PER_W
        pltpu.sync_copy(idx_hbm.at[pl.ds(base, _ROWS_PER_W)], idx_v)
        pltpu.async_copy(table_hbm.at[idx_v], rows_v, sem).wait()
        pltpu.sync_copy(rows_v, out_hbm.at[pl.ds(base, _ROWS_PER_W)])

    return gather_k(table_padded, idx_flat)


def _stage_c_body(cnt_ref, dw_ref, ph_ref, bs_ref, ec_ref, ew_ref,
                  a_ref, v_ref, aq_ref, vq_ref,
                  emb_ref, sc_ref):
    ec = ec_ref[0]
    a_n = cnt_ref[0]
    v_n = cnt_ref[1]

    ec1 = _DECAY * ec + (1.0 - _DECAY) * v_n
    n1 = jnp.sum(ec1)
    ec1 = (ec1 + _EPS) / (n1 + _M * _EPS) * n1
    ew1 = _DECAY * ew_ref[...] + 0.5 * (1.0 - _DECAY) * dw_ref[1]
    ec2 = _DECAY * ec1 + (1.0 - _DECAY) * a_n
    n2 = jnp.sum(ec2)
    ec2 = (ec2 + _EPS) / (n2 + _M * _EPS) * n2
    ew2 = _DECAY * ew1 + 0.5 * (1.0 - _DECAY) * dw_ref[0]
    emb_ref[...] = ew2 / ec2[:, None]

    a_ph = ph_ref[0]
    v_ph = ph_ref[1]
    la = jnp.log(a_ph + 1e-10)
    lv = jnp.log(v_ph + 1e-10)
    scode = (lax.dot_general(a_ph, lv, (((1,), (1,)), ((), ())),
                             preferred_element_type=jnp.float32)
             + lax.dot_general(v_ph, la, (((1,), (1,)), ((), ())),
                               preferred_element_type=jnp.float32))
    mx = jnp.max(-scode)
    es = jnp.exp(scode + mx)
    rs = jnp.sum(es, axis=1)
    r = lax.broadcasted_iota(jnp.int32, (_B, _B), 0)
    c = lax.broadcasted_iota(jnp.int32, (_B, _B), 1)
    diag = jnp.sum(jnp.where(r == c, es, 0.0), axis=1)
    lcmcm = -jnp.sum(jnp.log(diag / (rs + _EPS))) / _B

    bs = bs_ref[...]
    mi = lax.broadcasted_iota(jnp.int32, (2, _B, _T), 0)
    li = lax.broadcasted_iota(jnp.int32, (2, _B, _T), 2)
    a_cons = jnp.sum(jnp.where((li == 0) & (mi == 0), bs, 0.0)) / _B
    v_cons = jnp.sum(jnp.where((li == 0) & (mi == 1), bs, 0.0)) / _B
    modes = jnp.sum(jnp.where(li == 1, bs, 0.0), axis=2)
    eqn = jnp.sum(jnp.where(modes[0] == modes[1], 1.0, 0.0))

    a_loss = 0.5 * jnp.mean((a_ref[...] - aq_ref[...]) ** 2)
    v_loss = 0.5 * jnp.mean((v_ref[...] - vq_ref[...]) ** 2)

    lo = lax.broadcasted_iota(jnp.int32, (1, 128), 1)
    sc_ref[...] = jnp.where(lo == 0, a_loss,
                  jnp.where(lo == 1, v_loss,
                  jnp.where(lo == 2, lcmcm,
                  jnp.where(lo == 3, a_cons,
                  jnp.where(lo == 4, v_cons,
                  jnp.where(lo == 5, eqn, 0.0))))))


def _stage_c(cnt, dw, ph, bs, ema_count, ema_weight, audio, video, aq, vq):
    full = lambda shape: pl.BlockSpec(shape, lambda: (0,) * len(shape))
    return pl.pallas_call(
        _stage_c_body,
        in_specs=[full((2, _M)), full((2, _M, _D)), full((2, _B, _M)),
                  full((2, _B, _T)), full((1, _M)), full((_M, _D)),
                  full((_B, _T, _D)), full((_B, _T, _D)),
                  full((_B, _T, _D)), full((_B, _T, _D))],
        out_specs=[full((_M, _D)), full((1, 128))],
        out_shape=[
            jax.ShapeDtypeStruct((_M, _D), jnp.float32),
            jax.ShapeDtypeStruct((1, 128), jnp.float32),
        ],
    )(cnt, dw, ph, bs, ema_count, ema_weight, audio, video, aq, vq)


def kernel(audio_semantic, video_semantic, epoch, embedding, ema_count,
           ema_weight, coefficients):
    audio = audio_semantic.astype(jnp.float32)
    video = video_semantic.astype(jnp.float32)
    emb = embedding.astype(jnp.float32)

    ax2 = jnp.sum(audio.reshape(-1, _D) ** 2, axis=1)
    vx2 = jnp.sum(video.reshape(-1, _D) ** 2, axis=1)
    x2 = jnp.stack([ax2, vx2]).reshape(2, _B, _T)
    e2 = jnp.sum(emb ** 2, axis=1).reshape(1, _M)

    idx, ph, cnt, dw, bs = _stage_a(audio, video, emb, x2, e2)

    emb_pad = jnp.pad(emb, ((0, 0), (0, _DP - _D)))
    q = _sc_gather(emb_pad, idx.reshape(-1))[:, :_D]
    aq = q[:_N].reshape(_B, _T, _D)
    vq = q[_N:].reshape(_B, _T, _D)

    emb2, scal = _stage_c(cnt, dw, ph, bs,
                          ema_count.reshape(1, _M).astype(jnp.float32),
                          ema_weight.astype(jnp.float32),
                          audio, video, aq, vq)

    a_loss = scal[0, 0]
    v_loss = scal[0, 1]
    cmcm_loss = jnp.where(epoch < 10, 0.0, 0.5 * scal[0, 2])
    a_cons = scal[0, 3]
    v_cons = scal[0, 4]
    equal_num = scal[0, 5].astype(jnp.int32)

    return (aq, vq, a_loss, v_loss, cmcm_loss, a_cons, v_cons,
            equal_num, emb2)

# --- scband reference (transcript-rebuilt; emitter-appended) ---
"""Pipeline reference for scband-cross-vqembedding-ema-87668872446335 (READ-ONLY COPY).

The authoritative reference and input builder live on the scoring server;
editing this copy changes nothing except your own understanding.
"""

import jax, jax.numpy as jnp
import numpy as np

B, T, D, M = 16, 128, 64, 8192
DECAY = 0.99
EPSILON = 1e-05
COMMITMENT_COST = 0.25


def setup_inputs(seed: int = 0) -> dict:
    key = jax.random.key(seed)
    k1, k2, k3, k4 = jax.random.split(key, 4)
    audio_semantic = jax.random.normal(k1, (B, T, D), dtype=jnp.float32)
    video_semantic = jax.random.normal(k2, (B, T, D), dtype=jnp.float32)
    embedding = jax.random.uniform(k3, (M, D), dtype=jnp.float32, minval=-1.0 / 400, maxval=1.0 / 400)
    coefficients = jax.random.normal(k4, (1,), dtype=jnp.float32)
    ema_count = jnp.zeros((M,), dtype=jnp.float32)
    ema_weight = embedding
    return {
        "audio_semantic": audio_semantic,
        "video_semantic": video_semantic,
        "epoch": 20,
        "embedding": embedding,
        "ema_count": ema_count,
        "ema_weight": ema_weight,
        "coefficients": coefficients,
    }


def _distances(flat, embedding):
    # addmm(sum(emb^2) + sum(x^2), x, emb.T, alpha=-2, beta=1)
    return (jnp.sum(embedding ** 2, axis=1)[None, :]
            + jnp.sum(flat ** 2, axis=1, keepdims=True)
            - 2.0 * (flat @ embedding.T))


def _entropy(p):
    return -jnp.sum(p * jnp.log(p + 1e-05), axis=-1)


def reference(audio_semantic, video_semantic, epoch, embedding, ema_count, ema_weight, coefficients):
    Bb, Tt, Dd = audio_semantic.shape
    Mm = embedding.shape[0]
    a_flat = jax.lax.stop_gradient(audio_semantic).reshape(-1, Dd)
    v_flat = jax.lax.stop_gradient(video_semantic).reshape(-1, Dd)
    a_distances = _distances(a_flat, embedding)
    v_distances = _distances(v_flat, embedding)
    a_dg = _distances(audio_semantic.reshape(-1, Dd), embedding)
    v_dg = _distances(video_semantic.reshape(-1, Dd), embedding)
    a_ph = jax.nn.softmax(-jnp.sqrt(jnp.maximum(a_dg, 0.0)), axis=1)
    v_ph = jax.nn.softmax(-jnp.sqrt(jnp.maximum(v_dg, 0.0)), axis=1)
    a_entropy = _entropy(a_ph)
    v_entropy = _entropy(v_ph)
    a_ph3 = a_ph.reshape(Bb, Tt, Mm)
    a_consistency_loss = jnp.sum(jnp.abs(a_ph3 - jnp.mean(a_ph3, axis=1, keepdims=True)))
    a_pH = jnp.mean(a_ph3, axis=1)
    v_ph3 = v_ph.reshape(Bb, Tt, Mm)
    v_consistency_loss = jnp.sum(jnp.abs(v_ph3 - jnp.mean(v_ph3, axis=1, keepdims=True)))
    v_pH = jnp.mean(v_ph3, axis=1)
    Scode = a_pH @ jnp.log(v_pH.T + 1e-10) + v_pH @ jnp.log(a_pH.T + 1e-10)
    MaxScode = jnp.max(-Scode)
    EScode = jnp.exp(Scode + MaxScode)
    EScode_sumdim1 = jnp.sum(EScode, axis=1)
    Lcmcm = -jnp.sum(jnp.log(jnp.diag(EScode) / (EScode_sumdim1 + EPSILON))) / Bb
    Lcmcm = jnp.where(epoch < 10, Lcmcm * 0.0, Lcmcm)
    a_consistency_loss = a_consistency_loss / Bb
    v_consistency_loss = v_consistency_loss / Bb
    max_entropy = np.log(Mm)
    a_adjustment = (1.0 - a_entropy / max_entropy)[:, None]
    v_adjustment = (1.0 - v_entropy / max_entropy)[:, None]
    a_indices = jnp.argmin(a_distances, axis=-1)
    a_encodings = jax.nn.one_hot(a_indices, Mm, dtype=jnp.float32)
    a_quantized = jnp.take(embedding, a_indices, axis=0).reshape(audio_semantic.shape)
    v_indices = jnp.argmin(v_distances, axis=-1)
    v_encodings = jax.nn.one_hot(v_indices, Mm, dtype=jnp.float32)
    v_quantized = jnp.take(embedding, v_indices, axis=0).reshape(video_semantic.shape)
    a_ind_r = a_indices.reshape(Bb, Tt)
    v_ind_r = v_indices.reshape(Bb, Tt)
    mode_fn = jax.vmap(lambda r: jnp.argmax(jnp.bincount(r, length=Mm)))
    equal_num = jnp.sum(mode_fn(a_ind_r) == mode_fn(v_ind_r))
    a_encodings = jax.lax.stop_gradient(a_adjustment * a_encodings)
    v_encodings = jax.lax.stop_gradient(v_adjustment * v_encodings)
    weights = jax.nn.sigmoid(coefficients)  # computed as in torch source (unused before truncation)
    # video-side EMA update (as in source)
    ema_count1 = DECAY * ema_count + (1 - DECAY) * jnp.sum(v_encodings, axis=0)
    n1 = jnp.sum(ema_count1)
    ema_count1 = (ema_count1 + EPSILON) / (n1 + Mm * EPSILON) * n1
    v_dw = v_encodings.T @ v_flat
    va_dw = v_encodings.T @ a_flat
    ema_weight1 = DECAY * ema_weight + 0.5 * (1 - DECAY) * v_dw + 0.5 * (1 - DECAY) * va_dw
    embedding1 = ema_weight1 / ema_count1[:, None]
    # symmetric audio-side EMA update (truncated in source; standard completion)
    ema_count2 = DECAY * ema_count1 + (1 - DECAY) * jnp.sum(a_encodings, axis=0)
    n2 = jnp.sum(ema_count2)
    ema_count2 = (ema_count2 + EPSILON) / (n2 + Mm * EPSILON) * n2
    a_dw = a_encodings.T @ a_flat
    av_dw = a_encodings.T @ v_flat
    ema_weight2 = DECAY * ema_weight1 + 0.5 * (1 - DECAY) * a_dw + 0.5 * (1 - DECAY) * av_dw
    embedding2 = ema_weight2 / ema_count2[:, None]
    cmcm_loss = 0.5 * Lcmcm
    a_e_latent_loss = jnp.mean((audio_semantic - jax.lax.stop_gradient(a_quantized)) ** 2)
    v_e_latent_loss = jnp.mean((video_semantic - jax.lax.stop_gradient(v_quantized)) ** 2)
    a_loss = COMMITMENT_COST * 2.0 * a_e_latent_loss
    v_loss = COMMITMENT_COST * 2.0 * v_e_latent_loss
    a_quantized_st = audio_semantic + jax.lax.stop_gradient(a_quantized - audio_semantic)
    v_quantized_st = video_semantic + jax.lax.stop_gradient(v_quantized - video_semantic)
    return (a_quantized_st, v_quantized_st, a_loss, v_loss, cmcm_loss,
            a_consistency_loss, v_consistency_loss, equal_num, embedding2)


if False:  # reference __main__ guard neutralized (emitter)
    out = reference(**setup_inputs())
    for o in out:
        print(jnp.asarray(o).shape)

if __name__ == "__main__":
    import jax
    _d = setup_inputs()
    print(jax.jit(kernel)(*tuple(_d.values())))

</pallas_src>

<mosaic_0001>
#map = affine_map<(d0, d1) -> (0, 0)>
#map1 = affine_map<(d0, d1) -> (0)>
module attributes {stable_mosaic.version = 14 : i64} {
  func.func @gather_k(%arg0: i32, %arg1: i32, %arg2: memref<8192x128xf32, #tpu.memory_space<hbm>>, %arg3: memref<4096xi32, #tpu.memory_space<hbm>>, %arg4: memref<4096x128xf32, #tpu.memory_space<hbm>>, %arg5: memref<128xi32, #tpu.memory_space<vmem>>, %arg6: memref<128x128xf32, #tpu.memory_space<vmem>>, %arg7: memref<!tpu.dma_semaphore, #tpu.memory_space<semaphore_mem>>) attributes {dimension_semantics = [#tpu.dimension_semantics<core_parallel>, #tpu.dimension_semantics<subcore_parallel>], iteration_bounds = array<i64: 2, 16>, scalar_prefetch = 0 : i64, scratch_operands = 3 : i64, tpu.core_type = #tpu.core_type<sc_vector_subcore>, window_params = [{transform_indices = #map}, {transform_indices = #map1}, {transform_indices = #map}]} {
    %mul3A = arith.constant 2 : i32
    %mul3A_0 = arith.muli %arg1, %mul3A : i32
    %add3A = arith.addi %mul3A_0, %arg0 : i32
    %mul3A_1 = arith.constant 128 : i32
    %mul3A_2 = arith.muli %add3A, %mul3A_1 : i32
    "tpu.region"() ({
      %run_scoped3A = tpu.sem_alloc : memref<!tpu.dma_semaphore, #tpu.memory_space<semaphore_mem>>
      %dma_start3A_7 = tpu.memref_slice %arg3[%mul3A_2] : memref<4096xi32, #tpu.memory_space<hbm>> -> memref<128xi32, #tpu.memory_space<hbm>>
      %dma_start3A_8 = tpu.memref_slice %arg3[%mul3A_2] : memref<4096xi32, #tpu.memory_space<hbm>> -> memref<128xi32, #tpu.memory_space<hbm>>
      tpu.enqueue_dma source(%dma_start3A_8 : memref<128xi32, #tpu.memory_space<hbm>>) target(%arg5 : memref<128xi32, #tpu.memory_space<vmem>>) target_semaphore(%run_scoped3A : memref<!tpu.dma_semaphore, #tpu.memory_space<semaphore_mem>>)
      %dma_wait3A_9 = tpu.memref_slice %arg3[%mul3A_2] : memref<4096xi32, #tpu.memory_space<hbm>> -> memref<128xi32, #tpu.memory_space<hbm>>
      %dma_wait3A_10 = tpu.memref_slice %arg3[%mul3A_2] : memref<4096xi32, #tpu.memory_space<hbm>> -> memref<128xi32, #tpu.memory_space<hbm>>
      tpu.wait_dma2 semaphore(%run_scoped3A : memref<!tpu.dma_semaphore, #tpu.memory_space<semaphore_mem>>) src(%dma_wait3A_10 : memref<128xi32, #tpu.memory_space<hbm>>) dst(%arg5 : memref<128xi32, #tpu.memory_space<vmem>>)
      tpu.yield
    }) : () -> ()
    %dma_start3A = arith.constant 0 : i32
    %dma_start3A_3 = arith.constant 0 : i32
    %dma_start3A_4 = tpu.memref_slice %arg2[%dma_start3A, %dma_start3A_3] : memref<8192x128xf32, #tpu.memory_space<hbm>> -> memref<8192x128xf32, #tpu.memory_space<hbm>>
    tpu.enqueue_indirect_dma source(%dma_start3A_4 : memref<8192x128xf32, #tpu.memory_space<hbm>>) target(%arg6 : memref<128x128xf32, #tpu.memory_space<vmem>>) offsets(%arg5 : memref<128xi32, #tpu.memory_space<vmem>>) semaphore(%arg7 : memref<!tpu.dma_semaphore, #tpu.memory_space<semaphore_mem>>)
    %dma_wait3A = arith.constant 0 : i32
    %dma_wait3A_5 = arith.constant 0 : i32
    %dma_wait3A_6 = tpu.memref_slice %arg2[%dma_wait3A, %dma_wait3A_5] : memref<8192x128xf32, #tpu.memory_space<hbm>> -> memref<8192x128xf32, #tpu.memory_space<hbm>>
    tpu.wait_indirect_dma semaphore(%arg7 : memref<!tpu.dma_semaphore, #tpu.memory_space<semaphore_mem>>) src(%dma_wait3A_6 : memref<8192x128xf32, #tpu.memory_space<hbm>>) dst(%arg6 : memref<128x128xf32, #tpu.memory_space<vmem>>)
    "tpu.region"() ({
      %run_scoped3A = tpu.sem_alloc : memref<!tpu.dma_semaphore, #tpu.memory_space<semaphore_mem>>
      %dma_start3A_7 = arith.constant 0 : i32
      %dma_start3A_8 = tpu.memref_slice %arg4[%mul3A_2, %dma_start3A_7] : memref<4096x128xf32, #tpu.memory_space<hbm>> -> memref<128x128xf32, #tpu.memory_space<hbm>>
      %dma_start3A_9 = arith.constant 0 : i32
      %dma_start3A_10 = tpu.memref_slice %arg4[%mul3A_2, %dma_start3A_9] : memref<4096x128xf32, #tpu.memory_space<hbm>> -> memref<128x128xf32, #tpu.memory_space<hbm>>
      tpu.enqueue_dma source(%arg6 : memref<128x128xf32, #tpu.memory_space<vmem>>) target(%dma_start3A_10 : memref<128x128xf32, #tpu.memory_space<hbm>>) target_semaphore(%run_scoped3A : memref<!tpu.dma_semaphore, #tpu.memory_space<semaphore_mem>>)
      %dma_wait3A_11 = arith.constant 0 : i32
      %dma_wait3A_12 = tpu.memref_slice %arg4[%mul3A_2, %dma_wait3A_11] : memref<4096x128xf32, #tpu.memory_space<hbm>> -> memref<128x128xf32, #tpu.memory_space<hbm>>
      %dma_wait3A_13 = arith.constant 0 : i32
      %dma_wait3A_14 = tpu.memref_slice %arg4[%mul3A_2, %dma_wait3A_13] : memref<4096x128xf32, #tpu.memory_space<hbm>> -> memref<128x128xf32, #tpu.memory_space<hbm>>
      tpu.wait_dma2 semaphore(%run_scoped3A : memref<!tpu.dma_semaphore, #tpu.memory_space<semaphore_mem>>) src(%arg6 : memref<128x128xf32, #tpu.memory_space<vmem>>) dst(%dma_wait3A_14 : memref<128x128xf32, #tpu.memory_space<hbm>>)
      tpu.yield
    }) : () -> ()
    return
  }
}

module attributes {stable_mosaic.version = 14 : i64} {
  func.func @_stage_a_body(%arg0: i32, %arg1: memref<16x128x64xf32, #tpu.memory_space<vmem>>, %arg2: memref<16x128x64xf32, #tpu.memory_space<vmem>>, %arg3: memref<8192x64xf32, #tpu.memory_space<vmem>>, %arg4: memref<2x16x128xf32, #tpu.memory_space<vmem>>, %arg5: memref<1x8192xf32, #tpu.memory_space<vmem>>, %arg6: memref<2x16x128xi32, #tpu.memory_space<vmem>>, %arg7: memref<2x16x8192xf32, #tpu.memory_space<vmem>>, %arg8: memref<2x8192xf32, #tpu.memory_space<vmem>>, %arg9: memref<2x8192x64xf32, #tpu.memory_space<vmem>>, %arg10: memref<2x16x128xf32, #tpu.memory_space<vmem>>) attributes {dimension_semantics = [#tpu.dimension_semantics<arbitrary>], iteration_bounds = array<i64: 32>, scalar_prefetch = 0 : i64, scratch_operands = 0 : i64, tpu.core_type = #tpu.core_type<tc>, window_params = [{pipeline_mode = #tpu.pipeline_mode<synchronous>, transform_indices = @transform_0, window_bounds = array<i64: 16, 128, 64>}, {pipeline_mode = #tpu.pipeline_mode<synchronous>, transform_indices = @transform_1, window_bounds = array<i64: 16, 128, 64>}, {pipeline_mode = #tpu.pipeline_mode<synchronous>, transform_indices = @transform_2, window_bounds = array<i64: 8192, 64>}, {pipeline_mode = #tpu.pipeline_mode<synchronous>, transform_indices = @transform_3, window_bounds = array<i64: 2, 16, 128>}, {pipeline_mode = #tpu.pipeline_mode<synchronous>, transform_indices = @transform_4, window_bounds = array<i64: 1, 8192>}, {pipeline_mode = #tpu.pipeline_mode<synchronous>, transform_indices = @transform_5, window_bounds = array<i64: 2, 16, 128>}, {pipeline_mode = #tpu.pipeline_mode<synchronous>, transform_indices = @transform_6, window_bounds = array<i64: 2, 16, 8192>}, {pipeline_mode = #tpu.pipeline_mode<synchronous>, transform_indices = @transform_7, window_bounds = array<i64: 2, 8192>}, {pipeline_mode = #tpu.pipeline_mode<synchronous>, transform_indices = @transform_8, window_bounds = array<i64: 2, 8192, 64>}, {pipeline_mode = #tpu.pipeline_mode<synchronous>, transform_indices = @transform_9, window_bounds = array<i64: 2, 16, 128>}]} {
    %jit3A = arith.constant 16 : i32
    %div3A = arith.divsi %arg0, %jit3A : i32
    %sign3A = arith.constant 0 : i32
    %sign3A_0 = arith.cmpi sgt, %arg0, %sign3A : i32
    %sign3A_1 = arith.extui %sign3A_0 : i1 to i32
    %sign3A_2 = arith.constant 0 : i32
    %sign3A_3 = arith.cmpi slt, %arg0, %sign3A_2 : i32
    %sign3A_4 = arith.extui %sign3A_3 : i1 to i32
    %sign3A_5 = arith.subi %sign3A_1, %sign3A_4 : i32
    %sign3A_6 = arith.constant 0 : i32
    %sign3A_7 = arith.cmpi sgt, %jit3A, %sign3A_6 : i32
    %sign3A_8 = arith.extui %sign3A_7 : i1 to i32
    %sign3A_9 = arith.constant 0 : i32
    %sign3A_10 = arith.cmpi slt, %jit3A, %sign3A_9 : i32
    %sign3A_11 = arith.extui %sign3A_10 : i1 to i32
    %sign3A_12 = arith.subi %sign3A_8, %sign3A_11 : i32
    %ne3A = arith.cmpi ne, %sign3A_5, %sign3A_12 : i32
    %rem3A = arith.remsi %arg0, %jit3A : i32
    %ne3A_13 = arith.constant 0 : i32
    %ne3A_14 = arith.cmpi ne, %rem3A, %ne3A_13 : i32
    %and3A = arith.andi %ne3A, %ne3A_14 : i1
    %sub3A = arith.constant 1 : i32
    %sub3A_15 = arith.subi %div3A, %sub3A : i32
    %select_n3A = arith.select %and3A, %sub3A_15, %div3A : i32
    %jit3A_16 = arith.constant 16 : i32
    %eq3A = arith.constant 0 : i32
    %eq3A_17 = arith.cmpi eq, %jit3A_16, %eq3A : i32
    %jit3A_18 = arith.constant 1 : i32
    %select_n3A_19 = arith.select %eq3A_17, %jit3A_18, %jit3A_16 : i32
    %rem3A_20 = arith.remsi %arg0, %select_n3A_19 : i32
    %ne3A_21 = arith.constant 0 : i32
    %ne3A_22 = arith.cmpi ne, %rem3A_20, %ne3A_21 : i32
    %lt3A = arith.constant 0 : i32
    %lt3A_23 = arith.cmpi slt, %rem3A_20, %lt3A : i32
    %lt3A_24 = arith.constant 0 : i32
    %lt3A_25 = arith.cmpi slt, %select_n3A_19, %lt3A_24 : i32
    %ne3A_26 = arith.xori %lt3A_23, %lt3A_25 : i1
    %and3A_27 = arith.andi %ne3A_26, %ne3A_22 : i1
    %add3A = arith.addi %rem3A_20, %select_n3A_19 : i32
    %select_n3A_28 = arith.select %and3A_27, %add3A, %rem3A_20 : i32
    %eq3A_29 = arith.constant 0 : i32
    %eq3A_30 = arith.cmpi eq, %arg0, %eq3A_29 : i32
    %convert_element_type3A = arith.extui %eq3A_30 : i1 to i32
    %cond3A = arith.constant 0 : i32
    %cond3A_31 = arith.cmpi ne, %convert_element_type3A, %cond3A : i32
    scf.if %cond3A_31 {
      %broadcast_in_dim3A_201 = arith.constant 0.000000e+00 : f32
      %broadcast_in_dim3A_202 = vector.broadcast %broadcast_in_dim3A_201 : f32 to vector<2x8192xf32>
      %swap3A_203 = arith.constant 0 : index
      %swap3A_204 = arith.constant 0 : index
      %swap3A_205 = vector.load %arg8[%swap3A_203, %swap3A_204] : memref<2x8192xf32, #tpu.memory_space<vmem>>, vector<2x8192xf32>
      tpu.vector_store %arg8[%swap3A_203, %swap3A_204], %broadcast_in_dim3A_202 {strides = array<i32>} : memref<2x8192xf32, #tpu.memory_space<vmem>>, vector<2x8192xf32>,
      %broadcast_in_dim3A_206 = arith.constant 0.000000e+00 : f32
      %broadcast_in_dim3A_207 = vector.broadcast %broadcast_in_dim3A_206 : f32 to vector<2x8192x64xf32>
      %swap3A_208 = arith.constant 0 : index
      %swap3A_209 = arith.constant 0 : index
      %swap3A_210 = arith.constant 0 : index
      %swap3A_211 = vector.load %arg9[%swap3A_208, %swap3A_209, %swap3A_210] : memref<2x8192x64xf32, #tpu.memory_space<vmem>>, vector<2x8192x64xf32>
      tpu.vector_store %arg9[%swap3A_208, %swap3A_209, %swap3A_210], %broadcast_in_dim3A_207 {strides = array<i32>} : memref<2x8192x64xf32, #tpu.memory_space<vmem>>, vector<2x8192x64xf32>,
    } else {
    }
    %get3A = arith.index_cast %select_n3A_28 : i32 to index
    %get3A_32 = arith.constant 0 : index
    %get3A_33 = arith.constant 0 : index
    %get3A_34 = vector.load %arg1[%get3A, %get3A_32, %get3A_33] : memref<16x128x64xf32, #tpu.memory_space<vmem>>, vector<1x128x64xf32>
    %get3A_35 = vector.shape_cast %get3A_34 : vector<1x128x64xf32> to vector<128x64xf32>
    %get3A_36 = arith.index_cast %select_n3A_28 : i32 to index
    %get3A_37 = arith.constant 0 : index
    %get3A_38 = arith.constant 0 : index
    %get3A_39 = vector.load %arg2[%get3A_36, %get3A_37, %get3A_38] : memref<16x128x64xf32, #tpu.memory_space<vmem>>, vector<1x128x64xf32>
    %get3A_40 = vector.shape_cast %get3A_39 : vector<1x128x64xf32> to vector<128x64xf32>
    %eq3A_41 = arith.constant 0 : i32
    %eq3A_42 = arith.cmpi eq, %select_n3A, %eq3A_41 : i32
    %select_n3A_43 = arith.select %eq3A_42, %get3A_35, %get3A_40 : vector<128x64xf32>
    %add3A_44 = arith.addf %get3A_35, %get3A_40 : vector<128x64xf32>
    %get3A_45 = arith.constant 0 : index
    %get3A_46 = arith.constant 0 : index
    %get3A_47 = vector.load %arg3[%get3A_45, %get3A_46] : memref<8192x64xf32, #tpu.memory_space<vmem>>, vector<8192x64xf32>
    %get3A_48 = arith.constant 0 : index
    %get3A_49 = arith.constant 0 : index
    %get3A_50 = vector.load %arg5[%get3A_48, %get3A_49] : memref<1x8192xf32, #tpu.memory_space<vmem>>, vector<1x8192xf32>
    %get3A_51 = vector.shape_cast %get3A_50 : vector<1x8192xf32> to vector<8192xf32>
    %get3A_52 = arith.index_cast %select_n3A : i32 to index
    %get3A_53 = arith.index_cast %select_n3A_28 : i32 to index
    %get3A_54 = arith.constant 0 : index
    %get3A_55 = vector.load %arg4[%get3A_52, %get3A_53, %get3A_54] : memref<2x16x128xf32, #tpu.memory_space<vmem>>, vector<1x1x128xf32>
    %get3A_56 = vector.shape_cast %get3A_55 : vector<1x1x128xf32> to vector<128xf32>
    %dot_general3A = arith.constant dense<0.000000e+00> : vector<128x8192xf32>
    %dot_general3A_57 = tpu.matmul %select_n3A_43, %get3A_47, %dot_general3A {dimension_numbers = #tpu.dot_dimension_numbers<[1], [1], [0], [0], [0, 0, 1, 0], [], []>, transpose_lhs_hint = false} : vector<128x64xf32>, vector<8192x64xf32>, vector<128x8192xf32> -> vector<128x8192xf32>
    %broadcast_in_dim3A = vector.shape_cast %get3A_51 : vector<8192xf32> to vector<1x8192xf32>
    %broadcast_in_dim3A_58 = vector.shape_cast %get3A_56 : vector<128xf32> to vector<128x1xf32>
    %add3A_59 = vector.broadcast %broadcast_in_dim3A : vector<1x8192xf32> to vector<128x8192xf32>
    %add3A_60 = vector.broadcast %broadcast_in_dim3A_58 : vector<128x1xf32> to vector<128x8192xf32>
    %add3A_61 = arith.addf %add3A_59, %add3A_60 : vector<128x8192xf32>
    %mul3A = arith.constant 2.000000e+00 : f32
    %mul3A_62 = vector.broadcast %mul3A : f32 to vector<128x8192xf32>
    %mul3A_63 = arith.mulf %mul3A_62, %dot_general3A_57 : vector<128x8192xf32>
    %sub3A_64 = arith.subf %add3A_61, %mul3A_63 : vector<128x8192xf32>
    %iota3A = tpu.iota {dimensions = array<i32: 1>} : vector<128x8192xi32>
    %reduce_min3A = arith.constant dense<0x7F800000> : vector<128xf32>
    %reduce_min3A_65 = vector.multi_reduction <minimumf>, %sub3A_64, %reduce_min3A [1] : vector<128x8192xf32> to vector<128xf32>
    %broadcast_in_dim3A_66 = vector.shape_cast %reduce_min3A_65 : vector<128xf32> to vector<128x1xf32>
    %eq3A_67 = vector.broadcast %broadcast_in_dim3A_66 : vector<128x1xf32> to vector<128x8192xf32>
    %eq3A_68 = arith.cmpf oeq, %sub3A_64, %eq3A_67 : vector<128x8192xf32>
    %jit3A_69 = arith.constant 8192 : i32
    %broadcast_in_dim3A_70 = vector.broadcast %jit3A_69 : i32 to vector<128x8192xi32>
    %select_n3A_71 = arith.select %eq3A_68, %iota3A, %broadcast_in_dim3A_70 : vector<128x8192xi1>, vector<128x8192xi32>
    %reduce_min3A_72 = arith.constant dense<2147483647> : vector<128xi32>
    %reduce_min3A_73 = vector.multi_reduction <minsi>, %select_n3A_71, %reduce_min3A_72 [1] : vector<128x8192xi32> to vector<128xi32>
    %max3A = arith.constant 0.000000e+00 : f32
    %max3A_74 = vector.broadcast %max3A : f32 to vector<128x8192xf32>
    %max3A_75 = arith.maximumf %sub3A_64, %max3A_74 : vector<128x8192xf32>
    %sqrt3A = math.sqrt %max3A_75 : vector<128x8192xf32>
    %neg3A = arith.constant 0.000000e+00 : f32
    %neg3A_76 = vector.broadcast %neg3A : f32 to vector<128x8192xf32>
    %neg3A_77 = arith.subf %neg3A_76, %sqrt3A : vector<128x8192xf32>
    %reduce_max3A = arith.constant dense<0xFF800000> : vector<128xf32>
    %reduce_max3A_78 = vector.multi_reduction <maximumf>, %neg3A_77, %reduce_max3A [1] : vector<128x8192xf32> to vector<128xf32>
    %broadcast_in_dim3A_79 = vector.shape_cast %reduce_max3A_78 : vector<128xf32> to vector<128x1xf32>
    %sub3A_80 = vector.broadcast %broadcast_in_dim3A_79 : vector<128x1xf32> to vector<128x8192xf32>
    %sub3A_81 = arith.subf %neg3A_77, %sub3A_80 : vector<128x8192xf32>
    %exp3A = math.exp %sub3A_81 : vector<128x8192xf32>
    %reduce_sum3A = arith.constant dense<0.000000e+00> : vector<128xf32>
    %reduce_sum3A_82 = vector.multi_reduction <add>, %exp3A, %reduce_sum3A [1] : vector<128x8192xf32> to vector<128xf32>
    %broadcast_in_dim3A_83 = vector.shape_cast %reduce_sum3A_82 : vector<128xf32> to vector<128x1xf32>
    %div3A_84 = vector.broadcast %broadcast_in_dim3A_83 : vector<128x1xf32> to vector<128x8192xf32>
    %div3A_85 = arith.divf %exp3A, %div3A_84 : vector<128x8192xf32>
    %add3A_86 = arith.constant 9.99999974E-6 : f32
    %add3A_87 = vector.broadcast %add3A_86 : f32 to vector<128x8192xf32>
    %add3A_88 = arith.addf %div3A_85, %add3A_87 : vector<128x8192xf32>
    %log3A = math.log %add3A_88 : vector<128x8192xf32>
    %mul3A_89 = arith.mulf %div3A_85, %log3A : vector<128x8192xf32>
    %reduce_sum3A_90 = arith.constant dense<0.000000e+00> : vector<128xf32>
    %reduce_sum3A_91 = vector.multi_reduction <add>, %mul3A_89, %reduce_sum3A_90 [1] : vector<128x8192xf32> to vector<128xf32>
    %neg3A_92 = arith.constant 0.000000e+00 : f32
    %neg3A_93 = vector.broadcast %neg3A_92 : f32 to vector<128xf32>
    %neg3A_94 = arith.subf %neg3A_93, %reduce_sum3A_91 : vector<128xf32>
    %div3A_95 = arith.constant 9.01091289 : f32
    %div3A_96 = vector.broadcast %div3A_95 : f32 to vector<128xf32>
    %div3A_97 = arith.divf %neg3A_94, %div3A_96 : vector<128xf32>
    %sub3A_98 = arith.constant 1.000000e+00 : f32
    %sub3A_99 = vector.broadcast %sub3A_98 : f32 to vector<128xf32>
    %sub3A_100 = arith.subf %sub3A_99, %div3A_97 : vector<128xf32>
    %reduce_sum3A_101 = arith.constant dense<0.000000e+00> : vector<8192xf32>
    %reduce_sum3A_102 = vector.multi_reduction <add>, %div3A_85, %reduce_sum3A_101 [0] : vector<128x8192xf32> to vector<8192xf32>
    %div3A_103 = arith.constant 1.280000e+02 : f32
    %div3A_104 = vector.broadcast %div3A_103 : f32 to vector<8192xf32>
    %div3A_105 = arith.divf %reduce_sum3A_102, %div3A_104 : vector<8192xf32>
    %broadcast_in_dim3A_106 = vector.shape_cast %div3A_105 : vector<8192xf32> to vector<1x8192xf32>
    %sub3A_107 = vector.broadcast %broadcast_in_dim3A_106 : vector<1x8192xf32> to vector<128x8192xf32>
    %sub3A_108 = arith.subf %div3A_85, %sub3A_107 : vector<128x8192xf32>
    %abs3A = math.absf %sub3A_108 : vector<128x8192xf32>
    %reduce_sum3A_109 = vector.shape_cast %abs3A : vector<128x8192xf32> to vector<1x128x8192xf32>
    %reduce_sum3A_110 = arith.constant dense<0.000000e+00> : vector<1xf32>
    %reduce_sum3A_111 = vector.multi_reduction <add>, %reduce_sum3A_109, %reduce_sum3A_110 [1, 2] : vector<1x128x8192xf32> to vector<1xf32>
    %reduce_sum3A_112 = vector.shape_cast %reduce_sum3A_111 : vector<1xf32> to vector<1x1x1xf32>
    %reduce_sum3A_113 = vector.extract %reduce_sum3A_112[0, 0, 0] : f32 from vector<1x1x1xf32>
    %broadcast_in_dim3A_114 = vector.shape_cast %reduce_min3A_73 : vector<128xi32> to vector<128x1xi32>
    %eq3A_115 = vector.broadcast %broadcast_in_dim3A_114 : vector<128x1xi32> to vector<128x8192xi32>
    %eq3A_116 = arith.cmpi eq, %iota3A, %eq3A_115 : vector<128x8192xi32>
    %convert_element_type3A_117 = arith.extui %eq3A_116 : vector<128x8192xi1> to vector<128x8192xi32>
    %convert_element_type3A_118 = arith.sitofp %convert_element_type3A_117 : vector<128x8192xi32> to vector<128x8192xf32>
    %reduce_sum3A_119 = arith.constant dense<0.000000e+00> : vector<8192xf32>
    %reduce_sum3A_120 = vector.multi_reduction <add>, %convert_element_type3A_118, %reduce_sum3A_119 [0] : vector<128x8192xf32> to vector<8192xf32>
    %iota3A_121 = tpu.iota {dimensions = array<i32: 1>} : vector<1x8192xi32>
    %reshape3A = vector.shape_cast %iota3A_121 : vector<1x8192xi32> to vector<8192xi32>
    %reduce_max3A_122 = vector.shape_cast %reduce_sum3A_120 : vector<8192xf32> to vector<1x8192xf32>
    %reduce_max3A_123 = arith.constant dense<0xFF800000> : vector<1xf32>
    %reduce_max3A_124 = vector.multi_reduction <maximumf>, %reduce_max3A_122, %reduce_max3A_123 [1] : vector<1x8192xf32> to vector<1xf32>
    %reduce_max3A_125 = vector.shape_cast %reduce_max3A_124 : vector<1xf32> to vector<1x1xf32>
    %reduce_max3A_126 = vector.extract %reduce_max3A_125[0, 0] : f32 from vector<1x1xf32>
    %eq3A_127 = vector.broadcast %reduce_max3A_126 : f32 to vector<8192xf32>
    %eq3A_128 = arith.cmpf oeq, %reduce_sum3A_120, %eq3A_127 : vector<8192xf32>
    %jit3A_129 = arith.constant 8192 : i32
    %broadcast_in_dim3A_130 = vector.broadcast %jit3A_129 : i32 to vector<8192xi32>
    %select_n3A_131 = arith.select %eq3A_128, %reshape3A, %broadcast_in_dim3A_130 : vector<8192xi1>, vector<8192xi32>
    %reduce_min3A_132 = vector.shape_cast %select_n3A_131 : vector<8192xi32> to vector<1x8192xi32>
    %reduce_min3A_133 = arith.constant dense<2147483647> : vector<1xi32>
    %reduce_min3A_134 = vector.multi_reduction <minsi>, %reduce_min3A_132, %reduce_min3A_133 [1] : vector<1x8192xi32> to vector<1xi32>
    %reduce_min3A_135 = vector.shape_cast %reduce_min3A_134 : vector<1xi32> to vector<1x1xi32>
    %reduce_min3A_136 = vector.extract %reduce_min3A_135[0, 0] : i32 from vector<1x1xi32>
    %convert_element_type3A_137 = arith.sitofp %reduce_min3A_136 : i32 to f32
    %broadcast_in_dim3A_138 = vector.shape_cast %sub3A_100 : vector<128xf32> to vector<128x1xf32>
    %mul3A_139 = vector.broadcast %broadcast_in_dim3A_138 : vector<128x1xf32> to vector<128x8192xf32>
    %mul3A_140 = arith.mulf %convert_element_type3A_118, %mul3A_139 : vector<128x8192xf32>
    %reduce_sum3A_141 = arith.constant dense<0.000000e+00> : vector<8192xf32>
    %reduce_sum3A_142 = vector.multi_reduction <add>, %mul3A_140, %reduce_sum3A_141 [0] : vector<128x8192xf32> to vector<8192xf32>
    %broadcast_in_dim3A_143 = vector.shape_cast %sub3A_100 : vector<128xf32> to vector<128x1xf32>
    %mul3A_144 = vector.broadcast %broadcast_in_dim3A_143 : vector<128x1xf32> to vector<128x64xf32>
    %mul3A_145 = arith.mulf %mul3A_144, %add3A_44 : vector<128x64xf32>
    %dot_general3A_146 = arith.constant dense<0.000000e+00> : vector<8192x64xf32>
    %dot_general3A_147 = tpu.matmul %convert_element_type3A_118, %mul3A_145, %dot_general3A_146 {dimension_numbers = #tpu.dot_dimension_numbers<[0], [0], [1], [1], [0, 1, 1, 1], [], []>, transpose_lhs_hint = false} : vector<128x8192xf32>, vector<128x64xf32>, vector<8192x64xf32> -> vector<8192x64xf32>
    %swap3A = arith.index_cast %select_n3A : i32 to index
    %swap3A_148 = arith.index_cast %select_n3A_28 : i32 to index
    %swap3A_149 = arith.constant 0 : index
    %swap3A_150 = vector.load %arg6[%swap3A, %swap3A_148, %swap3A_149] : memref<2x16x128xi32, #tpu.memory_space<vmem>>, vector<1x1x128xi32>
    %swap3A_151 = vector.shape_cast %swap3A_150 : vector<1x1x128xi32> to vector<128xi32>
    %swap3A_152 = vector.shape_cast %reduce_min3A_73 : vector<128xi32> to vector<1x1x128xi32>
    tpu.vector_store %arg6[%swap3A, %swap3A_148, %swap3A_149], %swap3A_152 {strides = array<i32>} : memref<2x16x128xi32, #tpu.memory_space<vmem>>, vector<1x1x128xi32>,
    %swap3A_153 = arith.index_cast %select_n3A : i32 to index
    %swap3A_154 = arith.index_cast %select_n3A_28 : i32 to index
    %swap3A_155 = arith.constant 0 : index
    %swap3A_156 = vector.load %arg7[%swap3A_153, %swap3A_154, %swap3A_155] : memref<2x16x8192xf32, #tpu.memory_space<vmem>>, vector<1x1x8192xf32>
    %swap3A_157 = vector.shape_cast %swap3A_156 : vector<1x1x8192xf32> to vector<8192xf32>
    %swap3A_158 = vector.shape_cast %div3A_105 : vector<8192xf32> to vector<1x1x8192xf32>
    tpu.vector_store %arg7[%swap3A_153, %swap3A_154, %swap3A_155], %swap3A_158 {strides = array<i32>} : memref<2x16x8192xf32, #tpu.memory_space<vmem>>, vector<1x1x8192xf32>,
    %get3A_159 = arith.index_cast %select_n3A : i32 to index
    %get3A_160 = arith.constant 0 : index
    %get3A_161 = vector.load %arg8[%get3A_159, %get3A_160] : memref<2x8192xf32, #tpu.memory_space<vmem>>, vector<1x8192xf32>
    %get3A_162 = vector.shape_cast %get3A_161 : vector<1x8192xf32> to vector<8192xf32>
    %add3A_163 = arith.addf %get3A_162, %reduce_sum3A_142 : vector<8192xf32>
    %swap3A_164 = arith.index_cast %select_n3A : i32 to index
    %swap3A_165 = arith.constant 0 : index
    %swap3A_166 = vector.load %arg8[%swap3A_164, %swap3A_165] : memref<2x8192xf32, #tpu.memory_space<vmem>>, vector<1x8192xf32>
    %swap3A_167 = vector.shape_cast %swap3A_166 : vector<1x8192xf32> to vector<8192xf32>
    %swap3A_168 = vector.shape_cast %add3A_163 : vector<8192xf32> to vector<1x8192xf32>
    tpu.vector_store %arg8[%swap3A_164, %swap3A_165], %swap3A_168 {strides = array<i32>} : memref<2x8192xf32, #tpu.memory_space<vmem>>, vector<1x8192xf32>,
    %get3A_169 = arith.index_cast %select_n3A : i32 to index
    %get3A_170 = arith.constant 0 : index
    %get3A_171 = arith.constant 0 : index
    %get3A_172 = vector.load %arg9[%get3A_169, %get3A_170, %get3A_171] : memref<2x8192x64xf32, #tpu.memory_space<vmem>>, vector<1x8192x64xf32>
    %get3A_173 = vector.shape_cast %get3A_172 : vector<1x8192x64xf32> to vector<8192x64xf32>
    %add3A_174 = arith.addf %get3A_173, %dot_general3A_147 : vector<8192x64xf32>
    %swap3A_175 = arith.index_cast %select_n3A : i32 to index
    %swap3A_176 = arith.constant 0 : index
    %swap3A_177 = arith.constant 0 : index
    %swap3A_178 = vector.load %arg9[%swap3A_175, %swap3A_176, %swap3A_177] : memref<2x8192x64xf32, #tpu.memory_space<vmem>>, vector<1x8192x64xf32>
    %swap3A_179 = vector.shape_cast %swap3A_178 : vector<1x8192x64xf32> to vector<8192x64xf32>
    %swap3A_180 = vector.shape_cast %add3A_174 : vector<8192x64xf32> to vector<1x8192x64xf32>
    tpu.vector_store %arg9[%swap3A_175, %swap3A_176, %swap3A_177], %swap3A_180 {strides = array<i32>} : memref<2x8192x64xf32, #tpu.memory_space<vmem>>, vector<1x8192x64xf32>,
    %iota3A_181 = tpu.iota {dimensions = array<i32: 1>} : vector<1x128xi32>
    %reshape3A_182 = vector.shape_cast %iota3A_181 : vector<1x128xi32> to vector<128xi32>
    %eq3A_183 = arith.constant 0 : i32
    %eq3A_184 = vector.broadcast %eq3A_183 : i32 to vector<128xi32>
    %eq3A_185 = arith.cmpi eq, %reshape3A_182, %eq3A_184 : vector<128xi32>
    %eq3A_186 = arith.constant 1 : i32
    %eq3A_187 = vector.broadcast %eq3A_186 : i32 to vector<128xi32>
    %eq3A_188 = arith.cmpi eq, %reshape3A_182, %eq3A_187 : vector<128xi32>
    %jit3A_189 = arith.constant 0.000000e+00 : f32
    %broadcast_in_dim3A_190 = vector.broadcast %convert_element_type3A_137 : f32 to vector<128xf32>
    %broadcast_in_dim3A_191 = vector.broadcast %jit3A_189 : f32 to vector<128xf32>
    %select_n3A_192 = arith.select %eq3A_188, %broadcast_in_dim3A_190, %broadcast_in_dim3A_191 : vector<128xi1>, vector<128xf32>
    %broadcast_in_dim3A_193 = vector.broadcast %reduce_sum3A_113 : f32 to vector<128xf32>
    %select_n3A_194 = arith.select %eq3A_185, %broadcast_in_dim3A_193, %select_n3A_192 : vector<128xi1>, vector<128xf32>
    %swap3A_195 = arith.index_cast %select_n3A : i32 to index
    %swap3A_196 = arith.index_cast %select_n3A_28 : i32 to index
    %swap3A_197 = arith.constant 0 : index
    %swap3A_198 = vector.load %arg10[%swap3A_195, %swap3A_196, %swap3A_197] : memref<2x16x128xf32, #tpu.memory_space<vmem>>, vector<1x1x128xf32>
    %swap3A_199 = vector.shape_cast %swap3A_198 : vector<1x1x128xf32> to vector<128xf32>
    %swap3A_200 = vector.shape_cast %select_n3A_194 : vector<128xf32> to vector<1x1x128xf32>
    tpu.vector_store %arg10[%swap3A_195, %swap3A_196, %swap3A_197], %swap3A_200 {strides = array<i32>} : memref<2x16x128xf32, #tpu.memory_space<vmem>>, vector<1x1x128xf32>,
    return
  }
  func.func @transform_0(%arg0: i32) -> (i32, i32, i32) {
    %c0_i32 = arith.constant 0 : i32
    %c0_i32_0 = arith.constant 0 : i32
    %c0_i32_1 = arith.constant 0 : i32
    %c0_i32_2 = arith.constant 0 : i32
    return %c0_i32, %c0_i32_0, %c0_i32_1 : i32, i32, i32
  }
  func.func @transform_1(%arg0: i32) -> (i32, i32, i32) {
    %c0_i32 = arith.constant 0 : i32
    %c0_i32_0 = arith.constant 0 : i32
    %c0_i32_1 = arith.constant 0 : i32
    %c0_i32_2 = arith.constant 0 : i32
    return %c0_i32, %c0_i32_0, %c0_i32_1 : i32, i32, i32
  }
  func.func @transform_2(%arg0: i32) -> (i32, i32) {
    %c0_i32 = arith.constant 0 : i32
    %c0_i32_0 = arith.constant 0 : i32
    %c0_i32_1 = arith.constant 0 : i32
    return %c0_i32, %c0_i32_0 : i32, i32
  }
  func.func @transform_3(%arg0: i32) -> (i32, i32, i32) {
    %c0_i32 = arith.constant 0 : i32
    %c0_i32_0 = arith.constant 0 : i32
    %c0_i32_1 = arith.constant 0 : i32
    %c0_i32_2 = arith.constant 0 : i32
    return %c0_i32, %c0_i32_0, %c0_i32_1 : i32, i32, i32
  }
  func.func @transform_4(%arg0: i32) -> (i32, i32) {
    %c0_i32 = arith.constant 0 : i32
    %c0_i32_0 = arith.constant 0 : i32
    %c0_i32_1 = arith.constant 0 : i32
    return %c0_i32, %c0_i32_0 : i32, i32
  }
  func.func @transform_5(%arg0: i32) -> (i32, i32, i32) {
    %c0_i32 = arith.constant 0 : i32
    %c0_i32_0 = arith.constant 0 : i32
    %c0_i32_1 = arith.constant 0 : i32
    %c0_i32_2 = arith.constant 0 : i32
    return %c0_i32, %c0_i32_0, %c0_i32_1 : i32, i32, i32
  }
  func.func @transform_6(%arg0: i32) -> (i32, i32, i32) {
    %c0_i32 = arith.constant 0 : i32
    %c0_i32_0 = arith.constant 0 : i32
    %c0_i32_1 = arith.constant 0 : i32
    %c0_i32_2 = arith.constant 0 : i32
    return %c0_i32, %c0_i32_0, %c0_i32_1 : i32, i32, i32
  }
  func.func @transform_7(%arg0: i32) -> (i32, i32) {
    %c0_i32 = arith.constant 0 : i32
    %c0_i32_0 = arith.constant 0 : i32
    %c0_i32_1 = arith.constant 0 : i32
    return %c0_i32, %c0_i32_0 : i32, i32
  }
  func.func @transform_8(%arg0: i32) -> (i32, i32, i32) {
    %c0_i32 = arith.constant 0 : i32
    %c0_i32_0 = arith.constant 0 : i32
    %c0_i32_1 = arith.constant 0 : i32
    %c0_i32_2 = arith.constant 0 : i32
    return %c0_i32, %c0_i32_0, %c0_i32_1 : i32, i32, i32
  }
  func.func @transform_9(%arg0: i32) -> (i32, i32, i32) {
    %c0_i32 = arith.constant 0 : i32
    %c0_i32_0 = arith.constant 0 : i32
    %c0_i32_1 = arith.constant 0 : i32
    %c0_i32_2 = arith.constant 0 : i32
    return %c0_i32, %c0_i32_0, %c0_i32_1 : i32, i32, i32
  }
}

module attributes {stable_mosaic.version = 14 : i64} {
  func.func @_stage_c_body(%arg0: memref<2x8192xf32, #tpu.memory_space<vmem>>, %arg1: memref<2x8192x64xf32, #tpu.memory_space<vmem>>, %arg2: memref<2x16x8192xf32, #tpu.memory_space<vmem>>, %arg3: memref<2x16x128xf32, #tpu.memory_space<vmem>>, %arg4: memref<1x8192xf32, #tpu.memory_space<vmem>>, %arg5: memref<8192x64xf32, #tpu.memory_space<vmem>>, %arg6: memref<16x128x64xf32, #tpu.memory_space<vmem>>, %arg7: memref<16x128x64xf32, #tpu.memory_space<vmem>>, %arg8: memref<16x128x64xf32, #tpu.memory_space<vmem>>, %arg9: memref<16x128x64xf32, #tpu.memory_space<vmem>>, %arg10: memref<8192x64xf32, #tpu.memory_space<vmem>>, %arg11: memref<1x128xf32, #tpu.memory_space<vmem>>) attributes {dimension_semantics = [], scalar_prefetch = 0 : i64, scratch_operands = 0 : i64, tpu.core_type = #tpu.core_type<tc>} {
    %get3A = arith.constant 0 : index
    %get3A_0 = arith.constant 0 : index
    %get3A_1 = vector.load %arg4[%get3A, %get3A_0] : memref<1x8192xf32, #tpu.memory_space<vmem>>, vector<1x8192xf32>
    %get3A_2 = vector.shape_cast %get3A_1 : vector<1x8192xf32> to vector<8192xf32>
    %get3A_3 = arith.constant 0 : index
    %get3A_4 = arith.constant 0 : index
    %get3A_5 = vector.load %arg0[%get3A_3, %get3A_4] : memref<2x8192xf32, #tpu.memory_space<vmem>>, vector<1x8192xf32>
    %get3A_6 = vector.shape_cast %get3A_5 : vector<1x8192xf32> to vector<8192xf32>
    %get3A_7 = arith.constant 1 : index
    %get3A_8 = arith.constant 0 : index
    %get3A_9 = vector.load %arg0[%get3A_7, %get3A_8] : memref<2x8192xf32, #tpu.memory_space<vmem>>, vector<1x8192xf32>
    %get3A_10 = vector.shape_cast %get3A_9 : vector<1x8192xf32> to vector<8192xf32>
    %mul3A = arith.constant 9.900000e-01 : f32
    %mul3A_11 = vector.broadcast %mul3A : f32 to vector<8192xf32>
    %mul3A_12 = arith.mulf %mul3A_11, %get3A_2 : vector<8192xf32>
    %mul3A_13 = arith.constant 0.00999999977 : f32
    %mul3A_14 = vector.broadcast %mul3A_13 : f32 to vector<8192xf32>
    %mul3A_15 = arith.mulf %mul3A_14, %get3A_10 : vector<8192xf32>
    %add3A = arith.addf %mul3A_12, %mul3A_15 : vector<8192xf32>
    %reduce_sum3A = vector.shape_cast %add3A : vector<8192xf32> to vector<1x8192xf32>
    %reduce_sum3A_16 = arith.constant dense<0.000000e+00> : vector<1xf32>
    %reduce_sum3A_17 = vector.multi_reduction <add>, %reduce_sum3A, %reduce_sum3A_16 [1] : vector<1x8192xf32> to vector<1xf32>
    %reduce_sum3A_18 = vector.shape_cast %reduce_sum3A_17 : vector<1xf32> to vector<1x1xf32>
    %reduce_sum3A_19 = vector.extract %reduce_sum3A_18[0, 0] : f32 from vector<1x1xf32>
    %add3A_20 = arith.constant 9.99999974E-6 : f32
    %add3A_21 = vector.broadcast %add3A_20 : f32 to vector<8192xf32>
    %add3A_22 = arith.addf %add3A, %add3A_21 : vector<8192xf32>
    %add3A_23 = arith.constant 0.0819199979 : f32
    %add3A_24 = arith.addf %reduce_sum3A_19, %add3A_23 : f32
    %div3A = vector.broadcast %add3A_24 : f32 to vector<8192xf32>
    %div3A_25 = arith.divf %add3A_22, %div3A : vector<8192xf32>
    %mul3A_26 = vector.broadcast %reduce_sum3A_19 : f32 to vector<8192xf32>
    %mul3A_27 = arith.mulf %div3A_25, %mul3A_26 : vector<8192xf32>
    %get3A_28 = arith.constant 0 : index
    %get3A_29 = arith.constant 0 : index
    %get3A_30 = vector.load %arg5[%get3A_28, %get3A_29] : memref<8192x64xf32, #tpu.memory_space<vmem>>, vector<8192x64xf32>
    %mul3A_31 = arith.constant 9.900000e-01 : f32
    %mul3A_32 = vector.broadcast %mul3A_31 : f32 to vector<8192x64xf32>
    %mul3A_33 = arith.mulf %mul3A_32, %get3A_30 : vector<8192x64xf32>
    %get3A_34 = arith.constant 1 : index
    %get3A_35 = arith.constant 0 : index
    %get3A_36 = arith.constant 0 : index
    %get3A_37 = vector.load %arg1[%get3A_34, %get3A_35, %get3A_36] : memref<2x8192x64xf32, #tpu.memory_space<vmem>>, vector<1x8192x64xf32>
    %get3A_38 = vector.shape_cast %get3A_37 : vector<1x8192x64xf32> to vector<8192x64xf32>
    %mul3A_39 = arith.constant 5.000000e-03 : f32
    %mul3A_40 = vector.broadcast %mul3A_39 : f32 to vector<8192x64xf32>
    %mul3A_41 = arith.mulf %mul3A_40, %get3A_38 : vector<8192x64xf32>
    %add3A_42 = arith.addf %mul3A_33, %mul3A_41 : vector<8192x64xf32>
    %mul3A_43 = arith.constant 9.900000e-01 : f32
    %mul3A_44 = vector.broadcast %mul3A_43 : f32 to vector<8192xf32>
    %mul3A_45 = arith.mulf %mul3A_44, %mul3A_27 : vector<8192xf32>
    %mul3A_46 = arith.constant 0.00999999977 : f32
    %mul3A_47 = vector.broadcast %mul3A_46 : f32 to vector<8192xf32>
    %mul3A_48 = arith.mulf %mul3A_47, %get3A_6 : vector<8192xf32>
    %add3A_49 = arith.addf %mul3A_45, %mul3A_48 : vector<8192xf32>
    %reduce_sum3A_50 = vector.shape_cast %add3A_49 : vector<8192xf32> to vector<1x8192xf32>
    %reduce_sum3A_51 = arith.constant dense<0.000000e+00> : vector<1xf32>
    %reduce_sum3A_52 = vector.multi_reduction <add>, %reduce_sum3A_50, %reduce_sum3A_51 [1] : vector<1x8192xf32> to vector<1xf32>
    %reduce_sum3A_53 = vector.shape_cast %reduce_sum3A_52 : vector<1xf32> to vector<1x1xf32>
    %reduce_sum3A_54 = vector.extract %reduce_sum3A_53[0, 0] : f32 from vector<1x1xf32>
    %add3A_55 = arith.constant 9.99999974E-6 : f32
    %add3A_56 = vector.broadcast %add3A_55 : f32 to vector<8192xf32>
    %add3A_57 = arith.addf %add3A_49, %add3A_56 : vector<8192xf32>
    %add3A_58 = arith.constant 0.0819199979 : f32
    %add3A_59 = arith.addf %reduce_sum3A_54, %add3A_58 : f32
    %div3A_60 = vector.broadcast %add3A_59 : f32 to vector<8192xf32>
    %div3A_61 = arith.divf %add3A_57, %div3A_60 : vector<8192xf32>
    %mul3A_62 = vector.broadcast %reduce_sum3A_54 : f32 to vector<8192xf32>
    %mul3A_63 = arith.mulf %div3A_61, %mul3A_62 : vector<8192xf32>
    %mul3A_64 = arith.constant 9.900000e-01 : f32
    %mul3A_65 = vector.broadcast %mul3A_64 : f32 to vector<8192x64xf32>
    %mul3A_66 = arith.mulf %mul3A_65, %add3A_42 : vector<8192x64xf32>
    %get3A_67 = arith.constant 0 : index
    %get3A_68 = arith.constant 0 : index
    %get3A_69 = arith.constant 0 : index
    %get3A_70 = vector.load %arg1[%get3A_67, %get3A_68, %get3A_69] : memref<2x8192x64xf32, #tpu.memory_space<vmem>>, vector<1x8192x64xf32>
    %get3A_71 = vector.shape_cast %get3A_70 : vector<1x8192x64xf32> to vector<8192x64xf32>
    %mul3A_72 = arith.constant 5.000000e-03 : f32
    %mul3A_73 = vector.broadcast %mul3A_72 : f32 to vector<8192x64xf32>
    %mul3A_74 = arith.mulf %mul3A_73, %get3A_71 : vector<8192x64xf32>
    %add3A_75 = arith.addf %mul3A_66, %mul3A_74 : vector<8192x64xf32>
    %broadcast_in_dim3A = vector.shape_cast %mul3A_63 : vector<8192xf32> to vector<8192x1xf32>
    %div3A_76 = vector.broadcast %broadcast_in_dim3A : vector<8192x1xf32> to vector<8192x64xf32>
    %div3A_77 = arith.divf %add3A_75, %div3A_76 : vector<8192x64xf32>
    %swap3A = arith.constant 0 : index
    %swap3A_78 = arith.constant 0 : index
    %swap3A_79 = vector.load %arg10[%swap3A, %swap3A_78] : memref<8192x64xf32, #tpu.memory_space<vmem>>, vector<8192x64xf32>
    tpu.vector_store %arg10[%swap3A, %swap3A_78], %div3A_77 {strides = array<i32>} : memref<8192x64xf32, #tpu.memory_space<vmem>>, vector<8192x64xf32>,
    %get3A_80 = arith.constant 0 : index
    %get3A_81 = arith.constant 0 : index
    %get3A_82 = arith.constant 0 : index
    %get3A_83 = vector.load %arg2[%get3A_80, %get3A_81, %get3A_82] : memref<2x16x8192xf32, #tpu.memory_space<vmem>>, vector<1x16x8192xf32>
    %get3A_84 = vector.shape_cast %get3A_83 : vector<1x16x8192xf32> to vector<16x8192xf32>
    %get3A_85 = arith.constant 1 : index
    %get3A_86 = arith.constant 0 : index
    %get3A_87 = arith.constant 0 : index
    %get3A_88 = vector.load %arg2[%get3A_85, %get3A_86, %get3A_87] : memref<2x16x8192xf32, #tpu.memory_space<vmem>>, vector<1x16x8192xf32>
    %get3A_89 = vector.shape_cast %get3A_88 : vector<1x16x8192xf32> to vector<16x8192xf32>
    %add3A_90 = arith.constant 1.000000e-10 : f32
    %add3A_91 = vector.broadcast %add3A_90 : f32 to vector<16x8192xf32>
    %add3A_92 = arith.addf %get3A_84, %add3A_91 : vector<16x8192xf32>
    %log3A = math.log %add3A_92 : vector<16x8192xf32>
    %add3A_93 = arith.constant 1.000000e-10 : f32
    %add3A_94 = vector.broadcast %add3A_93 : f32 to vector<16x8192xf32>
    %add3A_95 = arith.addf %get3A_89, %add3A_94 : vector<16x8192xf32>
    %log3A_96 = math.log %add3A_95 : vector<16x8192xf32>
    %dot_general3A = arith.constant dense<0.000000e+00> : vector<16x16xf32>
    %dot_general3A_97 = tpu.matmul %get3A_84, %log3A_96, %dot_general3A {dimension_numbers = #tpu.dot_dimension_numbers<[1], [1], [0], [0], [0, 0, 1, 0], [], []>, transpose_lhs_hint = false} : vector<16x8192xf32>, vector<16x8192xf32>, vector<16x16xf32> -> vector<16x16xf32>
    %dot_general3A_98 = arith.constant dense<0.000000e+00> : vector<16x16xf32>
    %dot_general3A_99 = tpu.matmul %get3A_89, %log3A, %dot_general3A_98 {dimension_numbers = #tpu.dot_dimension_numbers<[1], [1], [0], [0], [0, 0, 1, 0], [], []>, transpose_lhs_hint = false} : vector<16x8192xf32>, vector<16x8192xf32>, vector<16x16xf32> -> vector<16x16xf32>
    %add3A_100 = arith.addf %dot_general3A_97, %dot_general3A_99 : vector<16x16xf32>
    %neg3A = arith.constant 0.000000e+00 : f32
    %neg3A_101 = vector.broadcast %neg3A : f32 to vector<16x16xf32>
    %neg3A_102 = arith.subf %neg3A_101, %add3A_100 : vector<16x16xf32>
    %reduce_max3A = vector.shape_cast %neg3A_102 : vector<16x16xf32> to vector<1x16x16xf32>
    %reduce_max3A_103 = arith.constant dense<0xFF800000> : vector<1xf32>
    %reduce_max3A_104 = vector.multi_reduction <maximumf>, %reduce_max3A, %reduce_max3A_103 [1, 2] : vector<1x16x16xf32> to vector<1xf32>
    %reduce_max3A_105 = vector.shape_cast %reduce_max3A_104 : vector<1xf32> to vector<1x1x1xf32>
    %reduce_max3A_106 = vector.extract %reduce_max3A_105[0, 0, 0] : f32 from vector<1x1x1xf32>
    %add3A_107 = vector.broadcast %reduce_max3A_106 : f32 to vector<16x16xf32>
    %add3A_108 = arith.addf %add3A_100, %add3A_107 : vector<16x16xf32>
    %exp3A = math.exp %add3A_108 : vector<16x16xf32>
    %reduce_sum3A_109 = arith.constant dense<0.000000e+00> : vector<16xf32>
    %reduce_sum3A_110 = vector.multi_reduction <add>, %exp3A, %reduce_sum3A_109 [1] : vector<16x16xf32> to vector<16xf32>
    %iota3A = tpu.iota {dimensions = array<i32: 0>} : vector<16x16xi32>
    %iota3A_111 = tpu.iota {dimensions = array<i32: 1>} : vector<16x16xi32>
    %eq3A = arith.cmpi eq, %iota3A, %iota3A_111 : vector<16x16xi32>
    %jit3A = arith.constant 0.000000e+00 : f32
    %broadcast_in_dim3A_112 = vector.broadcast %jit3A : f32 to vector<16x16xf32>
    %select_n3A = arith.select %eq3A, %exp3A, %broadcast_in_dim3A_112 : vector<16x16xi1>, vector<16x16xf32>
    %reduce_sum3A_113 = arith.constant dense<0.000000e+00> : vector<16xf32>
    %reduce_sum3A_114 = vector.multi_reduction <add>, %select_n3A, %reduce_sum3A_113 [1] : vector<16x16xf32> to vector<16xf32>
    %add3A_115 = arith.constant 9.99999974E-6 : f32
    %add3A_116 = vector.broadcast %add3A_115 : f32 to vector<16xf32>
    %add3A_117 = arith.addf %reduce_sum3A_110, %add3A_116 : vector<16xf32>
    %div3A_118 = arith.divf %reduce_sum3A_114, %add3A_117 : vector<16xf32>
    %log3A_119 = math.log %div3A_118 : vector<16xf32>
    %reduce_sum3A_120 = vector.shape_cast %log3A_119 : vector<16xf32> to vector<1x16xf32>
    %reduce_sum3A_121 = arith.constant dense<0.000000e+00> : vector<1xf32>
    %reduce_sum3A_122 = vector.multi_reduction <add>, %reduce_sum3A_120, %reduce_sum3A_121 [1] : vector<1x16xf32> to vector<1xf32>
    %reduce_sum3A_123 = vector.shape_cast %reduce_sum3A_122 : vector<1xf32> to vector<1x1xf32>
    %reduce_sum3A_124 = vector.extract %reduce_sum3A_123[0, 0] : f32 from vector<1x1xf32>
    %neg3A_125 = arith.constant 0.000000e+00 : f32
    %neg3A_126 = arith.subf %neg3A_125, %reduce_sum3A_124 : f32
    %div3A_127 = arith.constant 1.600000e+01 : f32
    %div3A_128 = arith.divf %neg3A_126, %div3A_127 : f32
    %get3A_129 = arith.constant 0 : index
    %get3A_130 = arith.constant 0 : index
    %get3A_131 = arith.constant 0 : index
    %get3A_132 = vector.load %arg3[%get3A_129, %get3A_130, %get3A_131] : memref<2x16x128xf32, #tpu.memory_space<vmem>>, vector<2x16x128xf32>
    %iota3A_133 = tpu.iota {dimensions = array<i32: 0>} : vector<2x16x128xi32>
    %iota3A_134 = tpu.iota {dimensions = array<i32: 2>} : vector<2x16x128xi32>
    %eq3A_135 = arith.constant 0 : i32
    %eq3A_136 = vector.broadcast %eq3A_135 : i32 to vector<2x16x128xi32>
    %eq3A_137 = arith.cmpi eq, %iota3A_134, %eq3A_136 : vector<2x16x128xi32>
    %eq3A_138 = arith.constant 0 : i32
    %eq3A_139 = vector.broadcast %eq3A_138 : i32 to vector<2x16x128xi32>
    %eq3A_140 = arith.cmpi eq, %iota3A_133, %eq3A_139 : vector<2x16x128xi32>
    %and3A = arith.andi %eq3A_137, %eq3A_140 : vector<2x16x128xi1>
    %jit3A_141 = arith.constant 0.000000e+00 : f32
    %broadcast_in_dim3A_142 = vector.broadcast %jit3A_141 : f32 to vector<2x16x128xf32>
    %select_n3A_143 = arith.select %and3A, %get3A_132, %broadcast_in_dim3A_142 : vector<2x16x128xi1>, vector<2x16x128xf32>
    %reduce_sum3A_144 = vector.shape_cast %select_n3A_143 : vector<2x16x128xf32> to vector<1x2x16x128xf32>
    %reduce_sum3A_145 = arith.constant dense<0.000000e+00> : vector<1xf32>
    %reduce_sum3A_146 = vector.multi_reduction <add>, %reduce_sum3A_144, %reduce_sum3A_145 [1, 2, 3] : vector<1x2x16x128xf32> to vector<1xf32>
    %reduce_sum3A_147 = vector.shape_cast %reduce_sum3A_146 : vector<1xf32> to vector<1x1x1x1xf32>
    %reduce_sum3A_148 = vector.extract %reduce_sum3A_147[0, 0, 0, 0] : f32 from vector<1x1x1x1xf32>
    %div3A_149 = arith.constant 1.600000e+01 : f32
    %div3A_150 = arith.divf %reduce_sum3A_148, %div3A_149 : f32
    %eq3A_151 = arith.constant 0 : i32
    %eq3A_152 = vector.broadcast %eq3A_151 : i32 to vector<2x16x128xi32>
    %eq3A_153 = arith.cmpi eq, %iota3A_134, %eq3A_152 : vector<2x16x128xi32>
    %eq3A_154 = arith.constant 1 : i32
    %eq3A_155 = vector.broadcast %eq3A_154 : i32 to vector<2x16x128xi32>
    %eq3A_156 = arith.cmpi eq, %iota3A_133, %eq3A_155 : vector<2x16x128xi32>
    %and3A_157 = arith.andi %eq3A_153, %eq3A_156 : vector<2x16x128xi1>
    %jit3A_158 = arith.constant 0.000000e+00 : f32
    %broadcast_in_dim3A_159 = vector.broadcast %jit3A_158 : f32 to vector<2x16x128xf32>
    %select_n3A_160 = arith.select %and3A_157, %get3A_132, %broadcast_in_dim3A_159 : vector<2x16x128xi1>, vector<2x16x128xf32>
    %reduce_sum3A_161 = vector.shape_cast %select_n3A_160 : vector<2x16x128xf32> to vector<1x2x16x128xf32>
    %reduce_sum3A_162 = arith.constant dense<0.000000e+00> : vector<1xf32>
    %reduce_sum3A_163 = vector.multi_reduction <add>, %reduce_sum3A_161, %reduce_sum3A_162 [1, 2, 3] : vector<1x2x16x128xf32> to vector<1xf32>
    %reduce_sum3A_164 = vector.shape_cast %reduce_sum3A_163 : vector<1xf32> to vector<1x1x1x1xf32>
    %reduce_sum3A_165 = vector.extract %reduce_sum3A_164[0, 0, 0, 0] : f32 from vector<1x1x1x1xf32>
    %div3A_166 = arith.constant 1.600000e+01 : f32
    %div3A_167 = arith.divf %reduce_sum3A_165, %div3A_166 : f32
    %eq3A_168 = arith.constant 1 : i32
    %eq3A_169 = vector.broadcast %eq3A_168 : i32 to vector<2x16x128xi32>
    %eq3A_170 = arith.cmpi eq, %iota3A_134, %eq3A_169 : vector<2x16x128xi32>
    %jit3A_171 = arith.constant 0.000000e+00 : f32
    %broadcast_in_dim3A_172 = vector.broadcast %jit3A_171 : f32 to vector<2x16x128xf32>
    %select_n3A_173 = arith.select %eq3A_170, %get3A_132, %broadcast_in_dim3A_172 : vector<2x16x128xi1>, vector<2x16x128xf32>
    %reduce_sum3A_174 = arith.constant dense<0.000000e+00> : vector<2x16xf32>
    %reduce_sum3A_175 = vector.multi_reduction <add>, %select_n3A_173, %reduce_sum3A_174 [2] : vector<2x16x128xf32> to vector<2x16xf32>
    %slice3A = vector.extract_strided_slice %reduce_sum3A_175 {offsets = [0, 0], sizes = [1, 16], strides = [1, 1]} : vector<2x16xf32> to vector<1x16xf32>
    %squeeze3A = vector.shape_cast %slice3A : vector<1x16xf32> to vector<16xf32>
    %slice3A_176 = vector.extract_strided_slice %reduce_sum3A_175 {offsets = [1, 0], sizes = [1, 16], strides = [1, 1]} : vector<2x16xf32> to vector<1x16xf32>
    %squeeze3A_177 = vector.shape_cast %slice3A_176 : vector<1x16xf32> to vector<16xf32>
    %eq3A_178 = arith.cmpf oeq, %squeeze3A, %squeeze3A_177 : vector<16xf32>
    %jit3A_179 = arith.constant 1.000000e+00 : f32
    %jit3A_180 = arith.constant 0.000000e+00 : f32
    %broadcast_in_dim3A_181 = vector.broadcast %jit3A_179 : f32 to vector<16xf32>
    %broadcast_in_dim3A_182 = vector.broadcast %jit3A_180 : f32 to vector<16xf32>
    %select_n3A_183 = arith.select %eq3A_178, %broadcast_in_dim3A_181, %broadcast_in_dim3A_182 : vector<16xi1>, vector<16xf32>
    %reduce_sum3A_184 = vector.shape_cast %select_n3A_183 : vector<16xf32> to vector<1x16xf32>
    %reduce_sum3A_185 = arith.constant dense<0.000000e+00> : vector<1xf32>
    %reduce_sum3A_186 = vector.multi_reduction <add>, %reduce_sum3A_184, %reduce_sum3A_185 [1] : vector<1x16xf32> to vector<1xf32>
    %reduce_sum3A_187 = vector.shape_cast %reduce_sum3A_186 : vector<1xf32> to vector<1x1xf32>
    %reduce_sum3A_188 = vector.extract %reduce_sum3A_187[0, 0] : f32 from vector<1x1xf32>
    %get3A_189 = arith.constant 0 : index
    %get3A_190 = arith.constant 0 : index
    %get3A_191 = arith.constant 0 : index
    %get3A_192 = vector.load %arg6[%get3A_189, %get3A_190, %get3A_191] : memref<16x128x64xf32, #tpu.memory_space<vmem>>, vector<16x128x64xf32>
    %get3A_193 = arith.constant 0 : index
    %get3A_194 = arith.constant 0 : index
    %get3A_195 = arith.constant 0 : index
    %get3A_196 = vector.load %arg8[%get3A_193, %get3A_194, %get3A_195] : memref<16x128x64xf32, #tpu.memory_space<vmem>>, vector<16x128x64xf32>
    %sub3A = arith.subf %get3A_192, %get3A_196 : vector<16x128x64xf32>
    %integer_pow3A = arith.mulf %sub3A, %sub3A : vector<16x128x64xf32>
    %reduce_sum3A_197 = vector.shape_cast %integer_pow3A : vector<16x128x64xf32> to vector<1x16x128x64xf32>
    %reduce_sum3A_198 = arith.constant dense<0.000000e+00> : vector<1xf32>
    %reduce_sum3A_199 = vector.multi_reduction <add>, %reduce_sum3A_197, %reduce_sum3A_198 [1, 2, 3] : vector<1x16x128x64xf32> to vector<1xf32>
    %reduce_sum3A_200 = vector.shape_cast %reduce_sum3A_199 : vector<1xf32> to vector<1x1x1x1xf32>
    %reduce_sum3A_201 = vector.extract %reduce_sum3A_200[0, 0, 0, 0] : f32 from vector<1x1x1x1xf32>
    %div3A_202 = arith.constant 1.310720e+05 : f32
    %div3A_203 = arith.divf %reduce_sum3A_201, %div3A_202 : f32
    %mul3A_204 = arith.constant 5.000000e-01 : f32
    %mul3A_205 = arith.mulf %mul3A_204, %div3A_203 : f32
    %get3A_206 = arith.constant 0 : index
    %get3A_207 = arith.constant 0 : index
    %get3A_208 = arith.constant 0 : index
    %get3A_209 = vector.load %arg7[%get3A_206, %get3A_207, %get3A_208] : memref<16x128x64xf32, #tpu.memory_space<vmem>>, vector<16x128x64xf32>
    %get3A_210 = arith.constant 0 : index
    %get3A_211 = arith.constant 0 : index
    %get3A_212 = arith.constant 0 : index
    %get3A_213 = vector.load %arg9[%get3A_210, %get3A_211, %get3A_212] : memref<16x128x64xf32, #tpu.memory_space<vmem>>, vector<16x128x64xf32>
    %sub3A_214 = arith.subf %get3A_209, %get3A_213 : vector<16x128x64xf32>
    %integer_pow3A_215 = arith.mulf %sub3A_214, %sub3A_214 : vector<16x128x64xf32>
    %reduce_sum3A_216 = vector.shape_cast %integer_pow3A_215 : vector<16x128x64xf32> to vector<1x16x128x64xf32>
    %reduce_sum3A_217 = arith.constant dense<0.000000e+00> : vector<1xf32>
    %reduce_sum3A_218 = vector.multi_reduction <add>, %reduce_sum3A_216, %reduce_sum3A_217 [1, 2, 3] : vector<1x16x128x64xf32> to vector<1xf32>
    %reduce_sum3A_219 = vector.shape_cast %reduce_sum3A_218 : vector<1xf32> to vector<1x1x1x1xf32>
    %reduce_sum3A_220 = vector.extract %reduce_sum3A_219[0, 0, 0, 0] : f32 from vector<1x1x1x1xf32>
    %div3A_221 = arith.constant 1.310720e+05 : f32
    %div3A_222 = arith.divf %reduce_sum3A_220, %div3A_221 : f32
    %mul3A_223 = arith.constant 5.000000e-01 : f32
    %mul3A_224 = arith.mulf %mul3A_223, %div3A_222 : f32
    %iota3A_225 = tpu.iota {dimensions = array<i32: 1>} : vector<1x128xi32>
    %eq3A_226 = arith.constant 0 : i32
    %eq3A_227 = vector.broadcast %eq3A_226 : i32 to vector<1x128xi32>
    %eq3A_228 = arith.cmpi eq, %iota3A_225, %eq3A_227 : vector<1x128xi32>
    %eq3A_229 = arith.constant 1 : i32
    %eq3A_230 = vector.broadcast %eq3A_229 : i32 to vector<1x128xi32>
    %eq3A_231 = arith.cmpi eq, %iota3A_225, %eq3A_230 : vector<1x128xi32>
    %eq3A_232 = arith.constant 2 : i32
    %eq3A_233 = vector.broadcast %eq3A_232 : i32 to vector<1x128xi32>
    %eq3A_234 = arith.cmpi eq, %iota3A_225, %eq3A_233 : vector<1x128xi32>
    %eq3A_235 = arith.constant 3 : i32
    %eq3A_236 = vector.broadcast %eq3A_235 : i32 to vector<1x128xi32>
    %eq3A_237 = arith.cmpi eq, %iota3A_225, %eq3A_236 : vector<1x128xi32>
    %eq3A_238 = arith.constant 4 : i32
    %eq3A_239 = vector.broadcast %eq3A_238 : i32 to vector<1x128xi32>
    %eq3A_240 = arith.cmpi eq, %iota3A_225, %eq3A_239 : vector<1x128xi32>
    %eq3A_241 = arith.constant 5 : i32
    %eq3A_242 = vector.broadcast %eq3A_241 : i32 to vector<1x128xi32>
    %eq3A_243 = arith.cmpi eq, %iota3A_225, %eq3A_242 : vector<1x128xi32>
    %jit3A_244 = arith.constant 0.000000e+00 : f32
    %broadcast_in_dim3A_245 = vector.broadcast %reduce_sum3A_188 : f32 to vector<1x128xf32>
    %broadcast_in_dim3A_246 = vector.broadcast %jit3A_244 : f32 to vector<1x128xf32>
    %select_n3A_247 = arith.select %eq3A_243, %broadcast_in_dim3A_245, %broadcast_in_dim3A_246 : vector<1x128xi1>, vector<1x128xf32>
    %broadcast_in_dim3A_248 = vector.broadcast %div3A_167 : f32 to vector<1x128xf32>
    %select_n3A_249 = arith.select %eq3A_240, %broadcast_in_dim3A_248, %select_n3A_247 : vector<1x128xi1>, vector<1x128xf32>
    %broadcast_in_dim3A_250 = vector.broadcast %div3A_150 : f32 to vector<1x128xf32>
    %select_n3A_251 = arith.select %eq3A_237, %broadcast_in_dim3A_250, %select_n3A_249 : vector<1x128xi1>, vector<1x128xf32>
    %broadcast_in_dim3A_252 = vector.broadcast %div3A_128 : f32 to vector<1x128xf32>
    %select_n3A_253 = arith.select %eq3A_234, %broadcast_in_dim3A_252, %select_n3A_251 : vector<1x128xi1>, vector<1x128xf32>
    %broadcast_in_dim3A_254 = vector.broadcast %mul3A_224 : f32 to vector<1x128xf32>
    %select_n3A_255 = arith.select %eq3A_231, %broadcast_in_dim3A_254, %select_n3A_253 : vector<1x128xi1>, vector<1x128xf32>
    %broadcast_in_dim3A_256 = vector.broadcast %mul3A_205 : f32 to vector<1x128xf32>
    %select_n3A_257 = arith.select %eq3A_228, %broadcast_in_dim3A_256, %select_n3A_255 : vector<1x128xi1>, vector<1x128xf32>
    %swap3A_258 = arith.constant 0 : index
    %swap3A_259 = arith.constant 0 : index
    %swap3A_260 = vector.load %arg11[%swap3A_258, %swap3A_259] : memref<1x128xf32, #tpu.memory_space<vmem>>, vector<1x128xf32>
    tpu.vector_store %arg11[%swap3A_258, %swap3A_259], %select_n3A_257 {strides = array<i32>} : memref<1x128xf32, #tpu.memory_space<vmem>>, vector<1x128xf32>,
    return
  }
}

</mosaic_0001>

<sc_bundles>
// kernel: kernel.5.cloned.1.call-start
scs
__scs_entry_jumppad:
0x0: {  	(pc) =	sbr.rel $0x88, $3  }
0x1: {  	(tag) =	ssettag $0x0;
	lr =	simm.s32 $0x1  }
0x2: {  	[smem:$0x3F9B] =	sst lr;
	_ =	strace $0xD0000000  }
0x3: {  	_ = 	snop  }
0x4: {  	_ = 	snop  }
0x5: {  	_ = 	snop  }
0x6: {  	_ = 	snop  }
0x7: {  	_ = 	snop  }
__scs_overlays_trampoline_lowered:
0x8: {  	[smem:$0x3FAA] =	sst s0  }
0x9: {  	[smem:$0x3FAB] =	sst s1  }
0xa: {  	[smem:$0x3FAC] =	sst s2  }
0xb: {  	[smem:$0x3FAD] =	sst s3  }
0xc: {  	[smem:$0x3FAE] =	sst s4  }
0xd: {  	[smem:$0x3FAF] =	sst s5  }
0xe: {  	[smem:$0x3FB0] =	sst s6  }
0xf: {  	[smem:$0x3FB1] =	sst s7  }
0x10: {  	[smem:$0x3FB2] =	sst s8  }
0x11: {  	[smem:$0x3FB3] =	sst s9;
	s0 =	simm.s32 @!p0 $0x0  }
0x12: {  	s1 =	sld [smem:$0x3F99];
	s0 =	simm.s32 @p0 $0x1  }
0x13: {  	[smem:$0x3FB4] =	sst s0;
	s0 =	simm.s32 @!p1 $0x0  }
0x14: {  	s2 =	sld [smem:$0x3F98];
	s0 =	simm.s32 @p1 $0x1  }
0x15: {  	[smem:$0x3FB5] =	sst s0;
	s0 =	simm.s32 @!p2 $0x0  }
0x16: {  	s3 =	sld [smem:$0x3FDB];
	s0 =	simm.s32 @p2 $0x1  }
0x17: {  	s4 =	simm.s32 $0x1BF5;
	[smem:$0x3FB7] =	sst s0  }
0x18: {  	s0 =	sld [smem:$0x3F9A];
	_ =	swait.ge [sflag:s4], $0x0  }
0x19: {  	s7 =	sld [smem:$0x3F9B]  }
0x1a: {  	s8 =	sadd.s32 $0xFFFFE003, lr  }
0x1b: {  	s9 =	sadd.s32 $0xFFFFFEF7, lr;
	s5 =	simm.s32 $0xFFFFFFFF;
	p2 =	slt.u32 s8, $0xFFFFF086  }
0x1c: {  	p1 =	slt.u32 s9, $0xF7A;
	s5 =	simm.s32 @!p2 $0x0  }
0x1d: {  	s5 =	simm.s32 @p1 $0x1;
	p0 =	seq.s32 s7, s2  }
0x1e: {  	s7 =	smul.u32 @!p0 $0xF7A, s2;
	p2 =	seq.s32 @!p0 s5, $0x0  }
0x1f: {  	s9 =	smul.u32 $0xF7A, s1;
	s8 =	simm.s32 @!p0 $0x1BF5;
	p2 =	por !p2, p0  }
0x20: {  	[sflag:s8] =	ssyncset.s32 @!p0 $0xFFFFF086;
	s6 =	sadd.s32 @!p0 s3, s7;
	s7 =	simm.s32 @!p0 $0x108  }
0x21: {  	s3 =	sadd.s32 s3, s9;
	s6 =	sadd.s32 @!p0 $0x88, s6;
	s7 =	simm.s32 @p2 $0x1082  }
0x22: {  	[simem:s7], [sflag:s8] =	dma.local @!p0 [hbm:s6], $0xF7A  }
0x23: {  	s9 =	sor.u32 $0xD0000000, s2;
	s6 =	simm.s32 $0x108;
	_ =	swait.ge @!p0 [sflag:s8], $0x0  }
0x24: {  	s3 =	sadd.s32 $0x88, s3;
	s6 =	simm.s32 @!p1 $0x1082;
	[sflag:s4] =	ssyncset.s32 $0xFFFFF086  }
0x25: {  	[simem:s6], [sflag:s4] =	dma.local [hbm:s3], $0xF7A  }
0x26: {  	[smem:$0x3F9B] =	sst s1;
	(tag) =	ssettag s2;
	_ =	strace s9  }
0x27: {  	s1 =	sld [smem:$0x3FAB]  }
0x28: {  	s2 =	sld [smem:$0x3FAC]  }
0x29: {  	s4 =	sld [smem:$0x3FAE]  }
0x2a: {  	p0 =	seq.s32 s5, $0x0;
	s5 =	sld [smem:$0x3FAF]  }
0x2b: {  	s6 =	sld [smem:$0x3FB0]  }
0x2c: {  	s7 =	sld [smem:$0x3FB1]  }
0x2d: {  	s3 =	simm.s32 $0x108;
	s8 =	sld [smem:$0x3FB2]  }
0x2e: {  	s3 =	simm.s32 @!p0 $0x1082;
	s9 =	sld [smem:$0x3FB3]  }
0x2f: {  	lr =	sadd.s32 s0, s3;
	s0 =	sld [smem:$0x3FAA]  }
0x30: {  	s3 =	sld [smem:$0x3FAD]  }
0x31: {  	[smem:$0x3FB6] =	sst s10  }
0x32: {  	s10 =	sld [smem:$0x3FB4];
	_ =	sdelay $0x3  }
0x33: {  	p0 =	seq.s32 s10, $0x1;
	s10 =	sld [smem:$0x3FB6];
	_ =	sdelay $0x3  }
0x34: {  	[smem:$0x3FB6] =	sst s10  }
0x35: {  	s10 =	sld [smem:$0x3FB5];
	_ =	sdelay $0x3  }
0x36: {  	p1 =	seq.s32 s10, $0x1;
	s10 =	sld [smem:$0x3FB6];
	_ =	sdelay $0x3  }
0x37: {  	[smem:$0x3FB6] =	sst s10  }
0x38: {  	s10 =	sld [smem:$0x3FB7]  }
0x39: {  	_ = 	snop;
	(pc) =	sbr.ind lr, $3  }
0x3a: {  	_ = 	snop  }
0x3b: {  	_ = 	snop  }
0x3c: {  	p2 =	seq.s32 s10, $0x1;
	s10 =	sld [smem:$0x3FB6]  }
0x3d: {  	_ =	shalt  }
0x3e: {  	_ =	shalt  }
0x3f: {  	_ =	shalt  }
0x40: {  	_ =	shalt  }
0x41: {  	_ =	shalt  }
0x42: {  	_ =	shalt  }
0x43: {  	_ =	shalt  }
0x44: {  	_ =	shalt  }
0x45: {  	_ =	shalt  }
0x46: {  	_ =	shalt  }
0x47: {  	_ =	shalt  }
0x48: {  	_ =	shalt  }
0x49: {  	_ =	shalt  }
0x4a: {  	_ =	shalt  }
0x4b: {  	_ =	shalt  }
0x4c: {  	_ =	shalt  }
0x4d: {  	_ =	shalt  }
0x4e: {  	_ =	shalt  }
0x4f: {  	_ =	shalt  }
0x50: {  	_ =	shalt  }
0x51: {  	_ =	shalt  }
0x52: {  	_ =	shalt  }
0x53: {  	_ =	shalt  }
0x54: {  	_ =	shalt  }
0x55: {  	_ =	shalt  }
0x56: {  	_ =	shalt  }
0x57: {  	_ =	shalt  }
0x58: {  	_ =	shalt  }
0x59: {  	_ =	shalt  }
0x5a: {  	_ =	shalt  }
0x5b: {  	_ =	shalt  }
0x5c: {  	_ =	shalt  }
0x5d: {  	_ =	shalt  }
0x5e: {  	_ =	shalt  }
0x5f: {  	_ =	shalt  }
0x60: {  	_ =	shalt  }
0x61: {  	_ =	shalt  }
0x62: {  	_ =	shalt  }
0x63: {  	_ =	shalt  }
0x64: {  	_ =	shalt  }
0x65: {  	_ =	shalt  }
0x66: {  	_ =	shalt  }
0x67: {  	_ =	shalt  }
0x68: {  	_ =	shalt  }
0x69: {  	_ =	shalt  }
0x6a: {  	_ =	shalt  }
0x6b: {  	_ =	shalt  }
0x6c: {  	_ =	shalt  }
0x6d: {  	_ =	shalt  }
0x6e: {  	_ =	shalt  }
0x6f: {  	_ =	shalt  }
0x70: {  	_ =	shalt  }
0x71: {  	_ =	shalt  }
0x72: {  	_ =	shalt  }
0x73: {  	_ =	shalt  }
0x74: {  	_ =	shalt  }
0x75: {  	_ =	shalt  }
0x76: {  	_ =	shalt  }
0x77: {  	_ =	shalt  }
0x78: {  	_ =	shalt  }
0x79: {  	_ =	shalt  }
0x7a: {  	_ =	shalt  }
0x7b: {  	_ =	shalt  }
0x7c: {  	_ =	shalt  }
0x7d: {  	_ =	shalt  }
0x7e: {  	_ =	shalt  }
0x7f: {  	_ =	shalt  }
0x80: {  	_ =	shalt  }
0x81: {  	_ =	shalt  }
0x82: {  	_ =	shalt  }
0x83: {  	_ =	shalt  }
0x84: {  	_ =	shalt  }
0x85: {  	_ =	shalt  }
0x86: {  	_ =	shalt  }
0x87: {  	_ =	shalt  }
.Lfunc_end0:
.L_simem_size_0:
called_computation_lowered:
.L_overlay_start_0:
0x88: {  	s2 =	sld [smem:$0x3FD9]  }
0x89: {  	s3 =	sld [smem:$0x3FFE];
	_ =	sdelay $0x1  }
0x8a: {  	s1 =	srdreg.scid  }
0x8b: {  	s0 =	sand.u32 $0x1, s1  }
0x8c: {  	s13 =	sshll.u32 s0, $0xA;
	s2 =	sadd.s32 s3, s2  }
0x8d: {  	s2 =	sadd.s32 s2, s13  }
0x8e: {  	[smem:$0x3FC2] =	sst s2  }
0x8f: {  	_ = 	snop  }
0x90: {  	s2 =	sld [smem:$0x3FD0];
	_ =	sdelay $0x3  }
0x91: {  	s4 =	simm.s32 $0xA;
	s5 =	simm.s32 $0x10;
	s14 =	sadd.s32 $0x1, s2  }
0x92: {  	[smem:s5], [sflag:s4] =	dma.local [hbm:s14], $0x1  }
0x93: {  	_ =	swait.eq [sflag:s4], $0x1  }
0x94: {  	[sflag:s4] =	ssyncset.done $0x0  }
0x95: {  	[sflag:s4] =	ssyncadd.s32 $0xFFFFFFFF  }
0x96: {  	s15 =	sld [smem:$0x10]  }
0x97: {  	[smem:s5], [sflag:s4] =	dma.local [hbm:s2], $0x1  }
0x98: {  	_ =	swait.eq [sflag:s4], $0x1  }
0x99: {  	[sflag:s4] =	ssyncset.done $0x0  }
0x9a: {  	[sflag:s4] =	ssyncadd.s32 $0xFFFFFFFF  }
0x9b: {  	s16 =	sld [smem:$0x11];
	(tm) =	ssettm $0x1  }
0x9c: {  	s17 =	sld [smem:$0x3FFB];
	_ =	sdelay $0x3  }
0x9d: {  	_ =	strace s17  }
0x9e: {  	s4 =	sld [smem:$0x3FFC];
	_ =	sdelay $0x3  }
0x9f: {  	_ =	strace s4  }
0xa0: {  	s4 =	sld [smem:$0x3FFD];
	_ =	sdelay $0x3  }
0xa1: {  	_ =	strace s4  }
0xa2: {  	_ =	strace $0x8FFFFFFF  }
0xa3: {  	s18 =	sld [smem:$0x3FDB];
	_ =	sdelay $0x1  }
0xa4: {  	s19 =	simm.s32 $_scs_section_size  }
0xa5: {  	s6 =	simm.s32 $_size__tile_overlayer_lowered;
	s7 =	simm.s32 $_tile_overlayer_lowered  }
0xa6: {  	s22 =	simm.s32 $0x1BFF;
	s21 =	sshll.u32 s7, $0x1;
	s4 =	sadd.s32 s19, s18  }
0xa7: {  	s8 =	simm.s32 $0x0;
	s20 =	sshll.u32 s6, $0x1;
	s6 =	sadd.s32 s21, s4  }
0xa8: {  	[timem:s8], [sflag:s22] =	dma.local [hbm:s6], s20  }
0xa9: {  	_ =	swait.ge [sflag:s22], s20  }
0xaa: {  	s5 =	ssub.s32 $0x0, s20;
	[sflag:s22] =	ssyncset.done $0x0  }
0xab: {  	[sflag:s22] =	ssyncadd.s32 s5;
	_ =	sdelay $0x1  }
0xac: {  	s23 =	simm.s32 $0x1B8B  }
0xad: {  	_ =	swait.ge [sflag:s23], $0x1  }
0xae: {  	[sflag:s23] =	ssyncset.done $0x0  }
0xaf: {  	s25 =	simm.s32 $0x1B8E;
	s24 =	sld [smem:$0x3FFE];
	[sflag:s23] =	ssyncadd.s32 $0xFFFFFFFF  }
0xb0: {  	s26 =	simm.s32 $execute0_lowered;
	[smem:$0x3FD2] =	sst s25  }
0xb1: {  	s6 =	sshll.u32 s26, $0x1;
	_ =	strace $0x80000046;
	[dreg:$0x1] =	wrdreg $0xFFFFFFFF  }
0xb2: {  	s28 =	simm.s32 $_size_execute0_lowered;
	s4 =	sadd.s32 s4, s6;
	[dreg:$0x0] =	wrdreg $0x0  }
0xb3: {  	s6 =	sshll.u32 s28, $0x1;
	[dreg:$0x2] =	wrdreg s4  }
0xb4: {  	[dreg:$0x3] =	wrdreg s6  }
0xb5: {  	[dreg:$0x4] =	wrdreg $0xC0  }
0xb6: {  	_ =	task [dreg:s8], $0x5FFFF  }
0xb7: {  	[dreg:$0x1] =	wrdreg $0xFFFFFFFF  }
0xb8: {  	[dreg:$0x0] =	wrdreg $0x60  }
0xb9: {  	[dreg:$0x2] =	wrdreg s24  }
0xba: {  	[dreg:$0x3] =	wrdreg s16  }
0xbb: {  	[dreg:$0x4] =	wrdreg s15  }
0xbc: {  	[dreg:$0x5] =	wrdreg $0x9  }
0xbd: {  	_ =	task.clear_ibuf [dreg:s8], $0x6FFFF;
	_ =	strace $0x90000046  }
0xbe: {  	s29 =	simm.s32 $0x9;
	_ =	strace $0x80000048  }
0xbf: {  	_ =	swait.ge [sflag:s29], $0x1  }
0xc0: {  	[sflag:s29] =	ssyncadd.s32 $0xFFFFFFFF  }
0xc1: {  	_ =	strace $0x90000048  }
0xc2: {  	_ =	sfence  }
0xc3: {  	s30 =	sld [smem:$0x0];
	_ =	sdelay $0x2  }
0xc4: {  	s31 =	sshll.u32 s1, $0xD;
	s1 =	sshrl.u32 s1, $0x2  }
0xc5: {  	s3 =	sand.u32 $0x4000, s31;
	s1 =	sadd.s32 s1, s30  }
0xc6: {  	s0 =	sor.u32 s3, s0;
	s1 =	sshll.u32 s1, $0x11  }
0xc7: {  	s0 =	sor.u32 s1, s0  }
0xc8: {  	s0 =	sadd.s32 $0x8F2B, s0  }
0xc9: {  	[sflag:s0] =	ssyncadd.remote.s32 $0x1  }
0xca: {  	_ =	sfence.sel $0xFFFF  }
0xcb: {  	[dreg:$0x0] =	wrdreg $0xFFFFFFFF;
	(pc) =	sbr.abs _section_cstart, $3  }
0xcc: {  	[dreg:$0x1] =	wrdreg $0xFFFFFFFF  }
0xcd: {  	_ =	task.clear_ibuf [dreg:s8], $0x2FFFF;
	_ =	strace $0x9FFFFFFF  }
0xce: {  	(tm) =	ssettm $0x7FFFFFFF  }
0xcf: {  	_ =	shalt  }
tec
execute0_lowered:
.L_overlay_start_1:
0x0: {  	(tag) =	ssettag $0x1  }
0x1: {  	s5 =	rddreg [dreg:$0x0]  }
0x2: {  	s1 =	srdreg.scid;
	s3 =	rddreg [dreg:$0x1]  }
0x3: {  	s0 =	stileid.u32;
	s8 =	rddreg [dreg:$0x2];
	s6 =	sand.u32 $0x1, s1  }
0x4: {  	s2 =	simm.s32 $0x0;
	s4 =	sshll.u32 s0, $0x8;
	s7 =	sshll.u32 s6, $0x7  }
0x5: {  	[smem:$0x7FF] =	sst s2;
	s9 =	sor.u32 s7, s4  }
0x6: {  	s1 =	rddreg [dreg:$0x3];
	_ =	strace $0x80000047;
	s4 =	sshrl.u32 s9, $0x3  }
0x7: {  	s10 =	ssub.s32 $0x2, s6;
	s4 =	sadd.s32 s3, s4;
	s3 =	simm.s32 $0x2  }
0x8: {  	[tilespmem:s2], [sflag:$0x2] =	stream.linear.gather [hbm4b:s4+s2], $0x80, $0x38;
	[tilespmem:$0x4080] =	vst v63  }
0x9: {  	s5 =	sadd.s32 $0x800, s5;
	s11 =	sshrl.u32 s10, $0x1;
	_ =	swait.ge [sflag:s3], $0x80  }
0xa: {  	s6 =	simm.s32 $0x80;
	s10 =	ssub.s32 s10, s11;
	[sflag:s3] =	ssyncset.done $0x0  }
0xb: {  	s7 =	simm.s32 $0x1;
	s31 =	smax.u32 s10, $0x1;
	[sflag:s3] =	ssyncadd.s32 $0xFFFFFF80  }
0xc: {  	[tilespmem:s6], [sflag:$0x1] =	stream.indirect.gather [hbm4b:s5+s6], $0x80, s2, s6, $0xb8;
	[tilespmem:$0x4080] =	vst v63  }
0xd: {  	p0 =	sne.s32 s31, $0x1;
	_ =	swait.ge [sflag:s7], $0x4000  }
.Ltmp0:
0xe: {  	s9 =	sshll.u32 s9, $0x4;
	[sflag:s7] =	ssyncset.done $0x0;
	(pc) =	sbr.rel @!p0 .LBB2_2-.Ltmp0, $4  }
0xf: {  	s8 =	sadd.s32 s8, s9;
	[sflag:s7] =	ssyncadd.s32 $0xFFFFC000  }
0x10: {  	[hbm4b:s8+s2] =	stream.linear.scatter [tilespmem:s6], [sflag:$0x2], $0x4000, $0x38;
	[tilespmem:$0x4080] =	vst v63  }
0x11: {  	_ =	swait.ge [sflag:s3], $0x4000  }
0x12: {  	s9 =	sadd.s32 $0xFFFFFFFF, s31;
	[sflag:s3] =	ssyncset.done $0x0  }
.LBB2_1:
0x13: {  	p0 =	sne.s32 s9, $0x1;
	s9 =	sadd.s32 $0xFFFFFFFF, s9;
	[sflag:s3] =	ssyncadd.s32 $0xFFFFC000  }
0x14: {  	[tilespmem:s2], [sflag:$0x2] =	stream.linear.gather [hbm4b:s4+s2], $0x80, $0x38;
	[tilespmem:$0x4080] =	vst v63  }
0x15: {  	_ =	swait.ge [sflag:s3], $0x80  }
0x16: {  	[sflag:s3] =	ssyncset.done $0x0  }
0x17: {  	[sflag:s3] =	ssyncadd.s32 $0xFFFFFF80  }
0x18: {  	[tilespmem:s6], [sflag:$0x1] =	stream.indirect.gather [hbm4b:s5+s6], $0x80, s2, s6, $0xb8;
	[tilespmem:$0x4080] =	vst v63  }
0x19: {  	_ =	swait.ge [sflag:s7], $0x4000  }
.Ltmp1:
0x1a: {  	[sflag:s7] =	ssyncset.done $0x0;
	(pc) =	sbr.rel @p0 .LBB2_1-.Ltmp1, $4  }
0x1b: {  	[sflag:s7] =	ssyncadd.s32 $0xFFFFC000  }
0x1c: {  	[hbm4b:s8+s2] =	stream.linear.scatter [tilespmem:s6], [sflag:$0x2], $0x4000, $0x38;
	[tilespmem:$0x4080] =	vst v63  }
0x1d: {  	_ =	swait.ge [sflag:s3], $0x4000  }
0x1e: {  	[sflag:s3] =	ssyncset.done $0x0  }
.LBB2_2:
0x1f: {  	[sflag:s3] =	ssyncadd.s32 $0xFFFFC000  }
0x20: {  	_ =	sfence.sel $0x180000  }
0x21: {  	[bflag:$0x0] =	sbarrier.arrive $0xFFFF  }
0x22: {  	p0 =	sne.s32 s0, $0x0;
	_ =	strace $0x90000047  }
0x23: {  	s0 =	sadd.s32 @!p0 $0x100000, s1;
	[bflag:$0x2] =	sbarrier.arrive $0xFFFF  }
0x24: {  	[sflag:s0] =	ssyncadd.tile.s32 @!p0 $0x1;
	_ =	shalt  }
.Lfunc_end2:
_tile_overlayer_lowered:
.L_overlay_start_2:
0x25: {  	(tag) =	ssettag $0x2  }
0x26: {  	s0 =	rddreg [dreg:$0x0];
	s2 =	stileid.u32  }
0x27: {  	s1 =	rddreg [dreg:$0x1];
	p0 =	sne.s32 s2, $0x0  }
0x28: {  	s3 =	rddreg [dreg:$0x2];
	[bflag:$0x3] =	sbarrier.arrive $0xFFFF;
	s2 =	simm.s32 @!p0 $0x1C02  }
0x29: {  	[timem:s3], [sflag:s2] =	dma.local @!p0 [hbm:s0], s1  }
0x2a: {  	s0 =	simm.s32 @!p0 $0x2  }
0x2b: {  	_ =	swait.ge @!p0 [sflag:s0], s1  }
0x2c: {  	s1 =	ssub.s32 @!p0 $0x0, s1;
	[sflag:s0] =	ssyncset.done @!p0 $0x0  }
0x2d: {  	[sflag:s0] =	ssyncadd.s32 @!p0 s1  }
0x2e: {  	[bflag:$0x3] =	sbarrier.arrive $0xFFFF  }
0x2f: {  	_ =	shalt  }

</sc_bundles>
